<compile_context>
chip_gen: v7x
topology: tpu7x:2x2x1
jax: 0.10.2.dev20260603
libtpu: 0.0.44.dev20260713+nightly
codegen_flags: <defaults>
</compile_context>

<pallas_src>
import functools

import jax
import jax.numpy as jnp
from jax import lax
from jax.experimental import pallas as pl
from jax.experimental.pallas import tpu as pltpu
from jax.experimental.pallas import tpu_sc as plsc

VOCAB = 1000
VPAD = 1024
NC, NS, LANES = 2, 16, 16
NW = NC * NS
B, T = 1024, 50
NBT = B // 128
NVT = VOCAB // 8
UNITS_W = (T * NBT * 2) // NW
POS_W = (B * T) // NW
GCH = 80


def _lse_body(tab_ref, out_ref):
    x = tab_ref[...]
    m = jnp.max(x, axis=1)
    s = jnp.sum(jnp.exp(x - m[:, None]), axis=1)
    out_ref[...] = m + jnp.log(s)


_sc_mesh = plsc.VectorSubcoreMesh(core_axis_name="c", subcore_axis_name="s",
                                  num_cores=NC, num_subcores=NS)



@functools.partial(
    pl.kernel,
    out_type=jax.ShapeDtypeStruct((T, NVT, 8, B), jnp.float32),
    mesh=_sc_mesh,
    compiler_params=pltpu.CompilerParams(use_tc_tiling_on_sc=True,
                                         needs_layout_passes=False),
    scratch_types=[
        pltpu.VMEM((128,), jnp.int32),
        pltpu.VMEM((16, 8, 128), jnp.float32),
        pltpu.VMEM((16, 8, 128), jnp.float32),
        pltpu.VMEM((64, 8, 128), jnp.float32),
        pltpu.SemaphoreType.DMA,
        pltpu.SemaphoreType.DMA,
        pltpu.SemaphoreType.DMA,
    ],
)
def _sc_gather_t(tab3_hbm, idx_hbm, out_hbm,
                 idx_v, rg0, rg1, stg, semg0, semg1, semo):
    wid = lax.axis_index("s") * NC + lax.axis_index("c")
    rgs = (rg0, rg1)
    sems = (semg0, semg1)
    biota = lax.iota(jnp.int32, LANES)

    def unit_coords(u):
        t = u // (NBT * 2)
        rem = u % (NBT * 2)
        return t, rem // 2, rem % 2

    def out_slab(t, bt, vh, nvt):
        return out_hbm.at[t, pl.ds(vh * 64, nvt), :, pl.ds(bt * 128, 128)]

    def gather_desc(g, p):
        return pltpu.make_async_copy(
            tab3_hbm.at[idx_v.at[pl.ds(g * LANES, LANES)]], rgs[p], sems[p])

    @pl.loop(0, UNITS_W)
    def _unit(k):
        u = wid + NW * k
        t, bt, vh = unit_coords(u)
        nvt = jnp.where(vh == 0, 64, NVT - 64)
        pltpu.sync_copy(idx_hbm.at[pl.ds(t * B + bt * 128, 128)], idx_v)

        for gp in range(4):
            d0 = gather_desc(2 * gp, 0)
            d1 = gather_desc(2 * gp + 1, 1)
            d0.start()
            d1.start()
            d0.wait()
            d1.wait()
            for p in range(2):
                g = 2 * gp + p
                rg = rgs[p]

                @functools.partial(plsc.parallel_loop, 0, 64, unroll=2)
                def _vtb(vtl):
                    sv = jnp.full((LANES,), vh * 4 + vtl // 16, jnp.int32)
                    lb = (vtl % 16) * 8
                    for vi in range(8):
                        lv = jnp.full((LANES,), lb + vi, jnp.int32)
                        col = plsc.load_gather(rg, [biota, sv, lv])
                        stg[vtl, vi, pl.ds(g * LANES, LANES)] = col

        pltpu.sync_copy(stg.at[pl.ds(0, nvt)], out_slab(t, bt, vh, nvt))



@functools.partial(
    pl.kernel,
    out_type=jax.ShapeDtypeStruct((NW, LANES), jnp.float32),
    mesh=_sc_mesh,
    compiler_params=pltpu.CompilerParams(use_tc_tiling_on_sc=False,
                                         needs_layout_passes=False),
    scratch_types=[
        pltpu.VMEM((POS_W,), jnp.int32),
        pltpu.VMEM((POS_W,), jnp.int32),
        pltpu.VMEM((POS_W,), jnp.int32),
        pltpu.VMEM((POS_W,), jnp.float32),
        pltpu.VMEM((VOCAB,), jnp.float32),
        pltpu.VMEM((LANES,), jnp.float32),
        pltpu.SemaphoreType.DMA,
    ],
)
def _sc_loss(tabflat_hbm, idx_hbm, tgt_hbm, lse_hbm, part_hbm,
             idx_v, tgt_v, fi_v, tv_v, lse_v, acc_v, sem):
    wid = lax.axis_index("s") * NC + lax.axis_index("c")
    base = wid * POS_W
    pltpu.sync_copy(idx_hbm.at[pl.ds(base, POS_W)], idx_v)
    pltpu.sync_copy(tgt_hbm.at[pl.ds(base, POS_W)], tgt_v)
    pltpu.sync_copy(lse_hbm, lse_v)

    @pl.loop(0, POS_W, step=LANES)
    def _flat(o):
        fi_v[pl.ds(o, LANES)] = (idx_v[pl.ds(o, LANES)] * VOCAB
                                 + tgt_v[pl.ds(o, LANES)])

    descs = [
        pltpu.make_async_copy(
            tabflat_hbm.at[fi_v.at[pl.ds(c * GCH, GCH)]],
            tv_v.at[pl.ds(c * GCH, GCH)], sem)
        for c in range(POS_W // GCH)
    ]
    for d in descs:
        d.start()
    for d in descs:
        d.wait()

    def acc_step(o, acc):
        ls = plsc.load_gather(lse_v, [idx_v[pl.ds(o, LANES)]])
        return acc + (ls - tv_v[pl.ds(o, LANES)])

    acc = pl.loop(0, POS_W, step=LANES,
                  init_carry=jnp.zeros((LANES,), jnp.float32))(acc_step)
    acc_v[...] = acc
    pltpu.sync_copy(acc_v, part_hbm.at[wid])


@jax.jit
def kernel(idx, targets, table):
    table = table.astype(jnp.float32)
    tab3 = jnp.pad(table, ((0, 0), (0, VPAD - VOCAB))).reshape(VOCAB, 8, 128)
    idx_bt = idx.astype(jnp.int32).T.reshape(-1)
    idx_f = idx.astype(jnp.int32).reshape(-1)
    tgt_f = targets.astype(jnp.int32).reshape(-1)
    lse = pl.pallas_call(
        _lse_body,
        out_shape=jax.ShapeDtypeStruct((VOCAB,), jnp.float32),
    )(table)
    out4d = _sc_gather_t(tab3, idx_bt)
    logits = out4d.reshape(T, VOCAB, B).transpose(2, 0, 1)
    parts = _sc_loss(table.reshape(-1), idx_f, tgt_f, lse)
    loss = jnp.sum(parts) / jnp.float32(B * T)
    return logits, loss

# --- scband reference (transcript-rebuilt; emitter-appended) ---
"""Pipeline reference for scband-bigram-lm-25409026524048 (READ-ONLY COPY).

The authoritative reference and input builder live on the scoring server;
editing this copy changes nothing except your own understanding.
"""

import jax, jax.numpy as jnp
import numpy as np

VOCAB = 1000
B = 1024
T = 50

def setup_inputs(seed: int = 0) -> dict:
    key = jax.random.key(seed)
    k1, k2, k3 = jax.random.split(key, 3)
    idx = jax.random.randint(k1, (B, T), 0, VOCAB)
    targets = jax.random.randint(k2, (B, T), 0, VOCAB)
    # nn.Embedding(vocab_size, vocab_size) weight
    table = jax.random.normal(k3, (VOCAB, VOCAB), dtype=jnp.float32) * 0.02
    return {"idx": idx, "targets": targets, "table": table}

def reference(idx, targets, table):
    # logits = token_embedding_table(idx)  -> gather rows
    logits = jnp.take(table, idx, axis=0)  # [B, T, VOCAB]
    Bb, Tt, C = logits.shape
    lg = logits.reshape(Bb * Tt, C)
    tg = targets.reshape(Bb * Tt)
    # F.cross_entropy(lg, tg): mean over B*T of (logsumexp - logit[target])
    lse = jax.scipy.special.logsumexp(lg, axis=-1)
    tgt_logit = jnp.take_along_axis(lg, tg[:, None], axis=1)[:, 0]
    loss = jnp.mean(lse - tgt_logit)
    return (logits, loss)

if __name__ == "__main__":
    import jax
    _d = setup_inputs()
    print(jax.jit(kernel)(*tuple(_d.values())))

</pallas_src>

<mosaic_0001>
#map = affine_map<(d0, d1) -> (0)>
#map1 = affine_map<(d0, d1) -> (0, 0)>
module attributes {stable_mosaic.version = 14 : i64} {
  func.func @_sc_loss(%arg0: i32, %arg1: i32, %arg2: memref<1000000xf32, #tpu.memory_space<hbm>>, %arg3: memref<51200xi32, #tpu.memory_space<hbm>>, %arg4: memref<51200xi32, #tpu.memory_space<hbm>>, %arg5: memref<1000xf32, #tpu.memory_space<hbm>>, %arg6: memref<32x16xf32, #tpu.memory_space<hbm>>, %arg7: memref<1600xi32, #tpu.memory_space<vmem>>, %arg8: memref<1600xi32, #tpu.memory_space<vmem>>, %arg9: memref<1600xi32, #tpu.memory_space<vmem>>, %arg10: memref<1600xf32, #tpu.memory_space<vmem>>, %arg11: memref<1000xf32, #tpu.memory_space<vmem>>, %arg12: memref<16xf32, #tpu.memory_space<vmem>>, %arg13: memref<!tpu.dma_semaphore, #tpu.memory_space<semaphore_mem>>) attributes {dimension_semantics = [#tpu.dimension_semantics<core_parallel>, #tpu.dimension_semantics<subcore_parallel>], iteration_bounds = array<i64: 2, 16>, scalar_prefetch = 0 : i64, scratch_operands = 7 : i64, tpu.core_type = #tpu.core_type<sc_vector_subcore>, window_params = [{transform_indices = #map}, {transform_indices = #map}, {transform_indices = #map}, {transform_indices = #map}, {transform_indices = #map1}]} {
    %mul3A = arith.constant 2 : i32
    %mul3A_0 = arith.muli %arg1, %mul3A : i32
    %add3A = arith.addi %mul3A_0, %arg0 : i32
    %mul3A_1 = arith.constant 1600 : i32
    %mul3A_2 = arith.muli %add3A, %mul3A_1 : i32
    "tpu.region"() ({
      %run_scoped3A = tpu.sem_alloc : memref<!tpu.dma_semaphore, #tpu.memory_space<semaphore_mem>>
      %dma_start3A_253 = tpu.memref_slice %arg3[%mul3A_2] : memref<51200xi32, #tpu.memory_space<hbm>> -> memref<1600xi32, #tpu.memory_space<hbm>>
      %dma_start3A_254 = tpu.memref_slice %arg3[%mul3A_2] : memref<51200xi32, #tpu.memory_space<hbm>> -> memref<1600xi32, #tpu.memory_space<hbm>>
      tpu.enqueue_dma source(%dma_start3A_254 : memref<1600xi32, #tpu.memory_space<hbm>>) target(%arg7 : memref<1600xi32, #tpu.memory_space<vmem>>) target_semaphore(%run_scoped3A : memref<!tpu.dma_semaphore, #tpu.memory_space<semaphore_mem>>)
      %dma_wait3A_255 = tpu.memref_slice %arg3[%mul3A_2] : memref<51200xi32, #tpu.memory_space<hbm>> -> memref<1600xi32, #tpu.memory_space<hbm>>
      %dma_wait3A_256 = tpu.memref_slice %arg3[%mul3A_2] : memref<51200xi32, #tpu.memory_space<hbm>> -> memref<1600xi32, #tpu.memory_space<hbm>>
      tpu.wait_dma2 semaphore(%run_scoped3A : memref<!tpu.dma_semaphore, #tpu.memory_space<semaphore_mem>>) src(%dma_wait3A_256 : memref<1600xi32, #tpu.memory_space<hbm>>) dst(%arg7 : memref<1600xi32, #tpu.memory_space<vmem>>)
      tpu.yield
    }) : () -> ()
    "tpu.region"() ({
      %run_scoped3A = tpu.sem_alloc : memref<!tpu.dma_semaphore, #tpu.memory_space<semaphore_mem>>
      %dma_start3A_253 = tpu.memref_slice %arg4[%mul3A_2] : memref<51200xi32, #tpu.memory_space<hbm>> -> memref<1600xi32, #tpu.memory_space<hbm>>
      %dma_start3A_254 = tpu.memref_slice %arg4[%mul3A_2] : memref<51200xi32, #tpu.memory_space<hbm>> -> memref<1600xi32, #tpu.memory_space<hbm>>
      tpu.enqueue_dma source(%dma_start3A_254 : memref<1600xi32, #tpu.memory_space<hbm>>) target(%arg8 : memref<1600xi32, #tpu.memory_space<vmem>>) target_semaphore(%run_scoped3A : memref<!tpu.dma_semaphore, #tpu.memory_space<semaphore_mem>>)
      %dma_wait3A_255 = tpu.memref_slice %arg4[%mul3A_2] : memref<51200xi32, #tpu.memory_space<hbm>> -> memref<1600xi32, #tpu.memory_space<hbm>>
      %dma_wait3A_256 = tpu.memref_slice %arg4[%mul3A_2] : memref<51200xi32, #tpu.memory_space<hbm>> -> memref<1600xi32, #tpu.memory_space<hbm>>
      tpu.wait_dma2 semaphore(%run_scoped3A : memref<!tpu.dma_semaphore, #tpu.memory_space<semaphore_mem>>) src(%dma_wait3A_256 : memref<1600xi32, #tpu.memory_space<hbm>>) dst(%arg8 : memref<1600xi32, #tpu.memory_space<vmem>>)
      tpu.yield
    }) : () -> ()
    "tpu.region"() ({
      %run_scoped3A = tpu.sem_alloc : memref<!tpu.dma_semaphore, #tpu.memory_space<semaphore_mem>>
      tpu.enqueue_dma source(%arg5 : memref<1000xf32, #tpu.memory_space<hbm>>) target(%arg11 : memref<1000xf32, #tpu.memory_space<vmem>>) target_semaphore(%run_scoped3A : memref<!tpu.dma_semaphore, #tpu.memory_space<semaphore_mem>>)
      tpu.wait_dma2 semaphore(%run_scoped3A : memref<!tpu.dma_semaphore, #tpu.memory_space<semaphore_mem>>) src(%arg5 : memref<1000xf32, #tpu.memory_space<hbm>>) dst(%arg11 : memref<1000xf32, #tpu.memory_space<vmem>>)
      tpu.yield
    }) : () -> ()
    %scan3A = arith.constant 0 : i32
    %scan3A_3 = arith.constant 100 : i32
    %scan3A_4 = arith.addi %scan3A, %scan3A_3 : i32
    %scan3A_5 = arith.constant 1 : i32
    scf.for %scan3A_253 = %scan3A to %scan3A_4 step %scan3A_5  : i32 {
      %mul3A_254 = arith.constant 16 : i32
      %mul3A_255 = arith.muli %scan3A_253, %mul3A_254 : i32
      %add3A_256 = arith.constant 0 : i32
      %add3A_257 = arith.addi %add3A_256, %mul3A_255 : i32
      %get3A = arith.index_cast %add3A_257 : i32 to index
      %get3A_258 = tpu.vector_load %arg7[%get3A] {strides = array<i32>} : memref<1600xi32, #tpu.memory_space<vmem>>, vector<16xi32>,
      %mul3A_259 = arith.constant 1000 : i32
      %mul3A_260 = vector.broadcast %mul3A_259 : i32 to vector<16xi32>
      %mul3A_261 = arith.muli %get3A_258, %mul3A_260 : vector<16xi32>
      %get3A_262 = arith.index_cast %add3A_257 : i32 to index
      %get3A_263 = tpu.vector_load %arg8[%get3A_262] {strides = array<i32>} : memref<1600xi32, #tpu.memory_space<vmem>>, vector<16xi32>,
      %add3A_264 = arith.addi %mul3A_261, %get3A_263 : vector<16xi32>
      %swap3A_265 = arith.index_cast %add3A_257 : i32 to index
      %swap3A_266 = tpu.vector_load %arg9[%swap3A_265] {strides = array<i32>} : memref<1600xi32, #tpu.memory_space<vmem>>, vector<16xi32>,
      tpu.vector_store %arg9[%swap3A_265], %add3A_264 {strides = array<i32>} : memref<1600xi32, #tpu.memory_space<vmem>>, vector<16xi32>,
    }
    %scan3A_6 = arith.constant 100 : i32
    %dma_start3A = arith.constant 0 : i32
    %dma_start3A_7 = tpu.memref_slice %arg10[%dma_start3A] : memref<1600xf32, #tpu.memory_space<vmem>> -> memref<80xf32, #tpu.memory_space<vmem>>
    %dma_start3A_8 = arith.constant 0 : i32
    %dma_start3A_9 = tpu.memref_slice %arg9[%dma_start3A_8] : memref<1600xi32, #tpu.memory_space<vmem>> -> memref<80xi32, #tpu.memory_space<vmem>>
    %dma_start3A_10 = arith.constant 0 : i32
    %dma_start3A_11 = tpu.memref_slice %arg2[%dma_start3A_10] : memref<1000000xf32, #tpu.memory_space<hbm>> -> memref<1000000xf32, #tpu.memory_space<hbm>>
    tpu.enqueue_indirect_dma source(%dma_start3A_11 : memref<1000000xf32, #tpu.memory_space<hbm>>) target(%dma_start3A_7 : memref<80xf32, #tpu.memory_space<vmem>>) offsets(%dma_start3A_9 : memref<80xi32, #tpu.memory_space<vmem>>) semaphore(%arg13 : memref<!tpu.dma_semaphore, #tpu.memory_space<semaphore_mem>>)
    %dma_start3A_12 = arith.constant 80 : i32
    %dma_start3A_13 = tpu.memref_slice %arg10[%dma_start3A_12] : memref<1600xf32, #tpu.memory_space<vmem>> -> memref<80xf32, #tpu.memory_space<vmem>>
    %dma_start3A_14 = arith.constant 80 : i32
    %dma_start3A_15 = tpu.memref_slice %arg9[%dma_start3A_14] : memref<1600xi32, #tpu.memory_space<vmem>> -> memref<80xi32, #tpu.memory_space<vmem>>
    %dma_start3A_16 = arith.constant 0 : i32
    %dma_start3A_17 = tpu.memref_slice %arg2[%dma_start3A_16] : memref<1000000xf32, #tpu.memory_space<hbm>> -> memref<1000000xf32, #tpu.memory_space<hbm>>
    tpu.enqueue_indirect_dma source(%dma_start3A_17 : memref<1000000xf32, #tpu.memory_space<hbm>>) target(%dma_start3A_13 : memref<80xf32, #tpu.memory_space<vmem>>) offsets(%dma_start3A_15 : memref<80xi32, #tpu.memory_space<vmem>>) semaphore(%arg13 : memref<!tpu.dma_semaphore, #tpu.memory_space<semaphore_mem>>)
    %dma_start3A_18 = arith.constant 160 : i32
    %dma_start3A_19 = tpu.memref_slice %arg10[%dma_start3A_18] : memref<1600xf32, #tpu.memory_space<vmem>> -> memref<80xf32, #tpu.memory_space<vmem>>
    %dma_start3A_20 = arith.constant 160 : i32
    %dma_start3A_21 = tpu.memref_slice %arg9[%dma_start3A_20] : memref<1600xi32, #tpu.memory_space<vmem>> -> memref<80xi32, #tpu.memory_space<vmem>>
    %dma_start3A_22 = arith.constant 0 : i32
    %dma_start3A_23 = tpu.memref_slice %arg2[%dma_start3A_22] : memref<1000000xf32, #tpu.memory_space<hbm>> -> memref<1000000xf32, #tpu.memory_space<hbm>>
    tpu.enqueue_indirect_dma source(%dma_start3A_23 : memref<1000000xf32, #tpu.memory_space<hbm>>) target(%dma_start3A_19 : memref<80xf32, #tpu.memory_space<vmem>>) offsets(%dma_start3A_21 : memref<80xi32, #tpu.memory_space<vmem>>) semaphore(%arg13 : memref<!tpu.dma_semaphore, #tpu.memory_space<semaphore_mem>>)
    %dma_start3A_24 = arith.constant 240 : i32
    %dma_start3A_25 = tpu.memref_slice %arg10[%dma_start3A_24] : memref<1600xf32, #tpu.memory_space<vmem>> -> memref<80xf32, #tpu.memory_space<vmem>>
    %dma_start3A_26 = arith.constant 240 : i32
    %dma_start3A_27 = tpu.memref_slice %arg9[%dma_start3A_26] : memref<1600xi32, #tpu.memory_space<vmem>> -> memref<80xi32, #tpu.memory_space<vmem>>
    %dma_start3A_28 = arith.constant 0 : i32
    %dma_start3A_29 = tpu.memref_slice %arg2[%dma_start3A_28] : memref<1000000xf32, #tpu.memory_space<hbm>> -> memref<1000000xf32, #tpu.memory_space<hbm>>
    tpu.enqueue_indirect_dma source(%dma_start3A_29 : memref<1000000xf32, #tpu.memory_space<hbm>>) target(%dma_start3A_25 : memref<80xf32, #tpu.memory_space<vmem>>) offsets(%dma_start3A_27 : memref<80xi32, #tpu.memory_space<vmem>>) semaphore(%arg13 : memref<!tpu.dma_semaphore, #tpu.memory_space<semaphore_mem>>)
    %dma_start3A_30 = arith.constant 320 : i32
    %dma_start3A_31 = tpu.memref_slice %arg10[%dma_start3A_30] : memref<1600xf32, #tpu.memory_space<vmem>> -> memref<80xf32, #tpu.memory_space<vmem>>
    %dma_start3A_32 = arith.constant 320 : i32
    %dma_start3A_33 = tpu.memref_slice %arg9[%dma_start3A_32] : memref<1600xi32, #tpu.memory_space<vmem>> -> memref<80xi32, #tpu.memory_space<vmem>>
    %dma_start3A_34 = arith.constant 0 : i32
    %dma_start3A_35 = tpu.memref_slice %arg2[%dma_start3A_34] : memref<1000000xf32, #tpu.memory_space<hbm>> -> memref<1000000xf32, #tpu.memory_space<hbm>>
    tpu.enqueue_indirect_dma source(%dma_start3A_35 : memref<1000000xf32, #tpu.memory_space<hbm>>) target(%dma_start3A_31 : memref<80xf32, #tpu.memory_space<vmem>>) offsets(%dma_start3A_33 : memref<80xi32, #tpu.memory_space<vmem>>) semaphore(%arg13 : memref<!tpu.dma_semaphore, #tpu.memory_space<semaphore_mem>>)
    %dma_start3A_36 = arith.constant 400 : i32
    %dma_start3A_37 = tpu.memref_slice %arg10[%dma_start3A_36] : memref<1600xf32, #tpu.memory_space<vmem>> -> memref<80xf32, #tpu.memory_space<vmem>>
    %dma_start3A_38 = arith.constant 400 : i32
    %dma_start3A_39 = tpu.memref_slice %arg9[%dma_start3A_38] : memref<1600xi32, #tpu.memory_space<vmem>> -> memref<80xi32, #tpu.memory_space<vmem>>
    %dma_start3A_40 = arith.constant 0 : i32
    %dma_start3A_41 = tpu.memref_slice %arg2[%dma_start3A_40] : memref<1000000xf32, #tpu.memory_space<hbm>> -> memref<1000000xf32, #tpu.memory_space<hbm>>
    tpu.enqueue_indirect_dma source(%dma_start3A_41 : memref<1000000xf32, #tpu.memory_space<hbm>>) target(%dma_start3A_37 : memref<80xf32, #tpu.memory_space<vmem>>) offsets(%dma_start3A_39 : memref<80xi32, #tpu.memory_space<vmem>>) semaphore(%arg13 : memref<!tpu.dma_semaphore, #tpu.memory_space<semaphore_mem>>)
    %dma_start3A_42 = arith.constant 480 : i32
    %dma_start3A_43 = tpu.memref_slice %arg10[%dma_start3A_42] : memref<1600xf32, #tpu.memory_space<vmem>> -> memref<80xf32, #tpu.memory_space<vmem>>
    %dma_start3A_44 = arith.constant 480 : i32
    %dma_start3A_45 = tpu.memref_slice %arg9[%dma_start3A_44] : memref<1600xi32, #tpu.memory_space<vmem>> -> memref<80xi32, #tpu.memory_space<vmem>>
    %dma_start3A_46 = arith.constant 0 : i32
    %dma_start3A_47 = tpu.memref_slice %arg2[%dma_start3A_46] : memref<1000000xf32, #tpu.memory_space<hbm>> -> memref<1000000xf32, #tpu.memory_space<hbm>>
    tpu.enqueue_indirect_dma source(%dma_start3A_47 : memref<1000000xf32, #tpu.memory_space<hbm>>) target(%dma_start3A_43 : memref<80xf32, #tpu.memory_space<vmem>>) offsets(%dma_start3A_45 : memref<80xi32, #tpu.memory_space<vmem>>) semaphore(%arg13 : memref<!tpu.dma_semaphore, #tpu.memory_space<semaphore_mem>>)
    %dma_start3A_48 = arith.constant 560 : i32
    %dma_start3A_49 = tpu.memref_slice %arg10[%dma_start3A_48] : memref<1600xf32, #tpu.memory_space<vmem>> -> memref<80xf32, #tpu.memory_space<vmem>>
    %dma_start3A_50 = arith.constant 560 : i32
    %dma_start3A_51 = tpu.memref_slice %arg9[%dma_start3A_50] : memref<1600xi32, #tpu.memory_space<vmem>> -> memref<80xi32, #tpu.memory_space<vmem>>
    %dma_start3A_52 = arith.constant 0 : i32
    %dma_start3A_53 = tpu.memref_slice %arg2[%dma_start3A_52] : memref<1000000xf32, #tpu.memory_space<hbm>> -> memref<1000000xf32, #tpu.memory_space<hbm>>
    tpu.enqueue_indirect_dma source(%dma_start3A_53 : memref<1000000xf32, #tpu.memory_space<hbm>>) target(%dma_start3A_49 : memref<80xf32, #tpu.memory_space<vmem>>) offsets(%dma_start3A_51 : memref<80xi32, #tpu.memory_space<vmem>>) semaphore(%arg13 : memref<!tpu.dma_semaphore, #tpu.memory_space<semaphore_mem>>)
    %dma_start3A_54 = arith.constant 640 : i32
    %dma_start3A_55 = tpu.memref_slice %arg10[%dma_start3A_54] : memref<1600xf32, #tpu.memory_space<vmem>> -> memref<80xf32, #tpu.memory_space<vmem>>
    %dma_start3A_56 = arith.constant 640 : i32
    %dma_start3A_57 = tpu.memref_slice %arg9[%dma_start3A_56] : memref<1600xi32, #tpu.memory_space<vmem>> -> memref<80xi32, #tpu.memory_space<vmem>>
    %dma_start3A_58 = arith.constant 0 : i32
    %dma_start3A_59 = tpu.memref_slice %arg2[%dma_start3A_58] : memref<1000000xf32, #tpu.memory_space<hbm>> -> memref<1000000xf32, #tpu.memory_space<hbm>>
    tpu.enqueue_indirect_dma source(%dma_start3A_59 : memref<1000000xf32, #tpu.memory_space<hbm>>) target(%dma_start3A_55 : memref<80xf32, #tpu.memory_space<vmem>>) offsets(%dma_start3A_57 : memref<80xi32, #tpu.memory_space<vmem>>) semaphore(%arg13 : memref<!tpu.dma_semaphore, #tpu.memory_space<semaphore_mem>>)
    %dma_start3A_60 = arith.constant 720 : i32
    %dma_start3A_61 = tpu.memref_slice %arg10[%dma_start3A_60] : memref<1600xf32, #tpu.memory_space<vmem>> -> memref<80xf32, #tpu.memory_space<vmem>>
    %dma_start3A_62 = arith.constant 720 : i32
    %dma_start3A_63 = tpu.memref_slice %arg9[%dma_start3A_62] : memref<1600xi32, #tpu.memory_space<vmem>> -> memref<80xi32, #tpu.memory_space<vmem>>
    %dma_start3A_64 = arith.constant 0 : i32
    %dma_start3A_65 = tpu.memref_slice %arg2[%dma_start3A_64] : memref<1000000xf32, #tpu.memory_space<hbm>> -> memref<1000000xf32, #tpu.memory_space<hbm>>
    tpu.enqueue_indirect_dma source(%dma_start3A_65 : memref<1000000xf32, #tpu.memory_space<hbm>>) target(%dma_start3A_61 : memref<80xf32, #tpu.memory_space<vmem>>) offsets(%dma_start3A_63 : memref<80xi32, #tpu.memory_space<vmem>>) semaphore(%arg13 : memref<!tpu.dma_semaphore, #tpu.memory_space<semaphore_mem>>)
    %dma_start3A_66 = arith.constant 800 : i32
    %dma_start3A_67 = tpu.memref_slice %arg10[%dma_start3A_66] : memref<1600xf32, #tpu.memory_space<vmem>> -> memref<80xf32, #tpu.memory_space<vmem>>
    %dma_start3A_68 = arith.constant 800 : i32
    %dma_start3A_69 = tpu.memref_slice %arg9[%dma_start3A_68] : memref<1600xi32, #tpu.memory_space<vmem>> -> memref<80xi32, #tpu.memory_space<vmem>>
    %dma_start3A_70 = arith.constant 0 : i32
    %dma_start3A_71 = tpu.memref_slice %arg2[%dma_start3A_70] : memref<1000000xf32, #tpu.memory_space<hbm>> -> memref<1000000xf32, #tpu.memory_space<hbm>>
    tpu.enqueue_indirect_dma source(%dma_start3A_71 : memref<1000000xf32, #tpu.memory_space<hbm>>) target(%dma_start3A_67 : memref<80xf32, #tpu.memory_space<vmem>>) offsets(%dma_start3A_69 : memref<80xi32, #tpu.memory_space<vmem>>) semaphore(%arg13 : memref<!tpu.dma_semaphore, #tpu.memory_space<semaphore_mem>>)
    %dma_start3A_72 = arith.constant 880 : i32
    %dma_start3A_73 = tpu.memref_slice %arg10[%dma_start3A_72] : memref<1600xf32, #tpu.memory_space<vmem>> -> memref<80xf32, #tpu.memory_space<vmem>>
    %dma_start3A_74 = arith.constant 880 : i32
    %dma_start3A_75 = tpu.memref_slice %arg9[%dma_start3A_74] : memref<1600xi32, #tpu.memory_space<vmem>> -> memref<80xi32, #tpu.memory_space<vmem>>
    %dma_start3A_76 = arith.constant 0 : i32
    %dma_start3A_77 = tpu.memref_slice %arg2[%dma_start3A_76] : memref<1000000xf32, #tpu.memory_space<hbm>> -> memref<1000000xf32, #tpu.memory_space<hbm>>
    tpu.enqueue_indirect_dma source(%dma_start3A_77 : memref<1000000xf32, #tpu.memory_space<hbm>>) target(%dma_start3A_73 : memref<80xf32, #tpu.memory_space<vmem>>) offsets(%dma_start3A_75 : memref<80xi32, #tpu.memory_space<vmem>>) semaphore(%arg13 : memref<!tpu.dma_semaphore, #tpu.memory_space<semaphore_mem>>)
    %dma_start3A_78 = arith.constant 960 : i32
    %dma_start3A_79 = tpu.memref_slice %arg10[%dma_start3A_78] : memref<1600xf32, #tpu.memory_space<vmem>> -> memref<80xf32, #tpu.memory_space<vmem>>
    %dma_start3A_80 = arith.constant 960 : i32
    %dma_start3A_81 = tpu.memref_slice %arg9[%dma_start3A_80] : memref<1600xi32, #tpu.memory_space<vmem>> -> memref<80xi32, #tpu.memory_space<vmem>>
    %dma_start3A_82 = arith.constant 0 : i32
    %dma_start3A_83 = tpu.memref_slice %arg2[%dma_start3A_82] : memref<1000000xf32, #tpu.memory_space<hbm>> -> memref<1000000xf32, #tpu.memory_space<hbm>>
    tpu.enqueue_indirect_dma source(%dma_start3A_83 : memref<1000000xf32, #tpu.memory_space<hbm>>) target(%dma_start3A_79 : memref<80xf32, #tpu.memory_space<vmem>>) offsets(%dma_start3A_81 : memref<80xi32, #tpu.memory_space<vmem>>) semaphore(%arg13 : memref<!tpu.dma_semaphore, #tpu.memory_space<semaphore_mem>>)
    %dma_start3A_84 = arith.constant 1040 : i32
    %dma_start3A_85 = tpu.memref_slice %arg10[%dma_start3A_84] : memref<1600xf32, #tpu.memory_space<vmem>> -> memref<80xf32, #tpu.memory_space<vmem>>
    %dma_start3A_86 = arith.constant 1040 : i32
    %dma_start3A_87 = tpu.memref_slice %arg9[%dma_start3A_86] : memref<1600xi32, #tpu.memory_space<vmem>> -> memref<80xi32, #tpu.memory_space<vmem>>
    %dma_start3A_88 = arith.constant 0 : i32
    %dma_start3A_89 = tpu.memref_slice %arg2[%dma_start3A_88] : memref<1000000xf32, #tpu.memory_space<hbm>> -> memref<1000000xf32, #tpu.memory_space<hbm>>
    tpu.enqueue_indirect_dma source(%dma_start3A_89 : memref<1000000xf32, #tpu.memory_space<hbm>>) target(%dma_start3A_85 : memref<80xf32, #tpu.memory_space<vmem>>) offsets(%dma_start3A_87 : memref<80xi32, #tpu.memory_space<vmem>>) semaphore(%arg13 : memref<!tpu.dma_semaphore, #tpu.memory_space<semaphore_mem>>)
    %dma_start3A_90 = arith.constant 1120 : i32
    %dma_start3A_91 = tpu.memref_slice %arg10[%dma_start3A_90] : memref<1600xf32, #tpu.memory_space<vmem>> -> memref<80xf32, #tpu.memory_space<vmem>>
    %dma_start3A_92 = arith.constant 1120 : i32
    %dma_start3A_93 = tpu.memref_slice %arg9[%dma_start3A_92] : memref<1600xi32, #tpu.memory_space<vmem>> -> memref<80xi32, #tpu.memory_space<vmem>>
    %dma_start3A_94 = arith.constant 0 : i32
    %dma_start3A_95 = tpu.memref_slice %arg2[%dma_start3A_94] : memref<1000000xf32, #tpu.memory_space<hbm>> -> memref<1000000xf32, #tpu.memory_space<hbm>>
    tpu.enqueue_indirect_dma source(%dma_start3A_95 : memref<1000000xf32, #tpu.memory_space<hbm>>) target(%dma_start3A_91 : memref<80xf32, #tpu.memory_space<vmem>>) offsets(%dma_start3A_93 : memref<80xi32, #tpu.memory_space<vmem>>) semaphore(%arg13 : memref<!tpu.dma_semaphore, #tpu.memory_space<semaphore_mem>>)
    %dma_start3A_96 = arith.constant 1200 : i32
    %dma_start3A_97 = tpu.memref_slice %arg10[%dma_start3A_96] : memref<1600xf32, #tpu.memory_space<vmem>> -> memref<80xf32, #tpu.memory_space<vmem>>
    %dma_start3A_98 = arith.constant 1200 : i32
    %dma_start3A_99 = tpu.memref_slice %arg9[%dma_start3A_98] : memref<1600xi32, #tpu.memory_space<vmem>> -> memref<80xi32, #tpu.memory_space<vmem>>
    %dma_start3A_100 = arith.constant 0 : i32
    %dma_start3A_101 = tpu.memref_slice %arg2[%dma_start3A_100] : memref<1000000xf32, #tpu.memory_space<hbm>> -> memref<1000000xf32, #tpu.memory_space<hbm>>
    tpu.enqueue_indirect_dma source(%dma_start3A_101 : memref<1000000xf32, #tpu.memory_space<hbm>>) target(%dma_start3A_97 : memref<80xf32, #tpu.memory_space<vmem>>) offsets(%dma_start3A_99 : memref<80xi32, #tpu.memory_space<vmem>>) semaphore(%arg13 : memref<!tpu.dma_semaphore, #tpu.memory_space<semaphore_mem>>)
    %dma_start3A_102 = arith.constant 1280 : i32
    %dma_start3A_103 = tpu.memref_slice %arg10[%dma_start3A_102] : memref<1600xf32, #tpu.memory_space<vmem>> -> memref<80xf32, #tpu.memory_space<vmem>>
    %dma_start3A_104 = arith.constant 1280 : i32
    %dma_start3A_105 = tpu.memref_slice %arg9[%dma_start3A_104] : memref<1600xi32, #tpu.memory_space<vmem>> -> memref<80xi32, #tpu.memory_space<vmem>>
    %dma_start3A_106 = arith.constant 0 : i32
    %dma_start3A_107 = tpu.memref_slice %arg2[%dma_start3A_106] : memref<1000000xf32, #tpu.memory_space<hbm>> -> memref<1000000xf32, #tpu.memory_space<hbm>>
    tpu.enqueue_indirect_dma source(%dma_start3A_107 : memref<1000000xf32, #tpu.memory_space<hbm>>) target(%dma_start3A_103 : memref<80xf32, #tpu.memory_space<vmem>>) offsets(%dma_start3A_105 : memref<80xi32, #tpu.memory_space<vmem>>) semaphore(%arg13 : memref<!tpu.dma_semaphore, #tpu.memory_space<semaphore_mem>>)
    %dma_start3A_108 = arith.constant 1360 : i32
    %dma_start3A_109 = tpu.memref_slice %arg10[%dma_start3A_108] : memref<1600xf32, #tpu.memory_space<vmem>> -> memref<80xf32, #tpu.memory_space<vmem>>
    %dma_start3A_110 = arith.constant 1360 : i32
    %dma_start3A_111 = tpu.memref_slice %arg9[%dma_start3A_110] : memref<1600xi32, #tpu.memory_space<vmem>> -> memref<80xi32, #tpu.memory_space<vmem>>
    %dma_start3A_112 = arith.constant 0 : i32
    %dma_start3A_113 = tpu.memref_slice %arg2[%dma_start3A_112] : memref<1000000xf32, #tpu.memory_space<hbm>> -> memref<1000000xf32, #tpu.memory_space<hbm>>
    tpu.enqueue_indirect_dma source(%dma_start3A_113 : memref<1000000xf32, #tpu.memory_space<hbm>>) target(%dma_start3A_109 : memref<80xf32, #tpu.memory_space<vmem>>) offsets(%dma_start3A_111 : memref<80xi32, #tpu.memory_space<vmem>>) semaphore(%arg13 : memref<!tpu.dma_semaphore, #tpu.memory_space<semaphore_mem>>)
    %dma_start3A_114 = arith.constant 1440 : i32
    %dma_start3A_115 = tpu.memref_slice %arg10[%dma_start3A_114] : memref<1600xf32, #tpu.memory_space<vmem>> -> memref<80xf32, #tpu.memory_space<vmem>>
    %dma_start3A_116 = arith.constant 1440 : i32
    %dma_start3A_117 = tpu.memref_slice %arg9[%dma_start3A_116] : memref<1600xi32, #tpu.memory_space<vmem>> -> memref<80xi32, #tpu.memory_space<vmem>>
    %dma_start3A_118 = arith.constant 0 : i32
    %dma_start3A_119 = tpu.memref_slice %arg2[%dma_start3A_118] : memref<1000000xf32, #tpu.memory_space<hbm>> -> memref<1000000xf32, #tpu.memory_space<hbm>>
    tpu.enqueue_indirect_dma source(%dma_start3A_119 : memref<1000000xf32, #tpu.memory_space<hbm>>) target(%dma_start3A_115 : memref<80xf32, #tpu.memory_space<vmem>>) offsets(%dma_start3A_117 : memref<80xi32, #tpu.memory_space<vmem>>) semaphore(%arg13 : memref<!tpu.dma_semaphore, #tpu.memory_space<semaphore_mem>>)
    %dma_start3A_120 = arith.constant 1520 : i32
    %dma_start3A_121 = tpu.memref_slice %arg10[%dma_start3A_120] : memref<1600xf32, #tpu.memory_space<vmem>> -> memref<80xf32, #tpu.memory_space<vmem>>
    %dma_start3A_122 = arith.constant 1520 : i32
    %dma_start3A_123 = tpu.memref_slice %arg9[%dma_start3A_122] : memref<1600xi32, #tpu.memory_space<vmem>> -> memref<80xi32, #tpu.memory_space<vmem>>
    %dma_start3A_124 = arith.constant 0 : i32
    %dma_start3A_125 = tpu.memref_slice %arg2[%dma_start3A_124] : memref<1000000xf32, #tpu.memory_space<hbm>> -> memref<1000000xf32, #tpu.memory_space<hbm>>
    tpu.enqueue_indirect_dma source(%dma_start3A_125 : memref<1000000xf32, #tpu.memory_space<hbm>>) target(%dma_start3A_121 : memref<80xf32, #tpu.memory_space<vmem>>) offsets(%dma_start3A_123 : memref<80xi32, #tpu.memory_space<vmem>>) semaphore(%arg13 : memref<!tpu.dma_semaphore, #tpu.memory_space<semaphore_mem>>)
    %dma_wait3A = arith.constant 0 : i32
    %dma_wait3A_126 = tpu.memref_slice %arg10[%dma_wait3A] : memref<1600xf32, #tpu.memory_space<vmem>> -> memref<80xf32, #tpu.memory_space<vmem>>
    %dma_wait3A_127 = arith.constant 0 : i32
    %dma_wait3A_128 = tpu.memref_slice %arg9[%dma_wait3A_127] : memref<1600xi32, #tpu.memory_space<vmem>> -> memref<80xi32, #tpu.memory_space<vmem>>
    %dma_wait3A_129 = arith.constant 0 : i32
    %dma_wait3A_130 = tpu.memref_slice %arg2[%dma_wait3A_129] : memref<1000000xf32, #tpu.memory_space<hbm>> -> memref<1000000xf32, #tpu.memory_space<hbm>>
    tpu.wait_indirect_dma semaphore(%arg13 : memref<!tpu.dma_semaphore, #tpu.memory_space<semaphore_mem>>) src(%dma_wait3A_130 : memref<1000000xf32, #tpu.memory_space<hbm>>) dst(%dma_wait3A_126 : memref<80xf32, #tpu.memory_space<vmem>>)
    %dma_wait3A_131 = arith.constant 80 : i32
    %dma_wait3A_132 = tpu.memref_slice %arg10[%dma_wait3A_131] : memref<1600xf32, #tpu.memory_space<vmem>> -> memref<80xf32, #tpu.memory_space<vmem>>
    %dma_wait3A_133 = arith.constant 80 : i32
    %dma_wait3A_134 = tpu.memref_slice %arg9[%dma_wait3A_133] : memref<1600xi32, #tpu.memory_space<vmem>> -> memref<80xi32, #tpu.memory_space<vmem>>
    %dma_wait3A_135 = arith.constant 0 : i32
    %dma_wait3A_136 = tpu.memref_slice %arg2[%dma_wait3A_135] : memref<1000000xf32, #tpu.memory_space<hbm>> -> memref<1000000xf32, #tpu.memory_space<hbm>>
    tpu.wait_indirect_dma semaphore(%arg13 : memref<!tpu.dma_semaphore, #tpu.memory_space<semaphore_mem>>) src(%dma_wait3A_136 : memref<1000000xf32, #tpu.memory_space<hbm>>) dst(%dma_wait3A_132 : memref<80xf32, #tpu.memory_space<vmem>>)
    %dma_wait3A_137 = arith.constant 160 : i32
    %dma_wait3A_138 = tpu.memref_slice %arg10[%dma_wait3A_137] : memref<1600xf32, #tpu.memory_space<vmem>> -> memref<80xf32, #tpu.memory_space<vmem>>
    %dma_wait3A_139 = arith.constant 160 : i32
    %dma_wait3A_140 = tpu.memref_slice %arg9[%dma_wait3A_139] : memref<1600xi32, #tpu.memory_space<vmem>> -> memref<80xi32, #tpu.memory_space<vmem>>
    %dma_wait3A_141 = arith.constant 0 : i32
    %dma_wait3A_142 = tpu.memref_slice %arg2[%dma_wait3A_141] : memref<1000000xf32, #tpu.memory_space<hbm>> -> memref<1000000xf32, #tpu.memory_space<hbm>>
    tpu.wait_indirect_dma semaphore(%arg13 : memref<!tpu.dma_semaphore, #tpu.memory_space<semaphore_mem>>) src(%dma_wait3A_142 : memref<1000000xf32, #tpu.memory_space<hbm>>) dst(%dma_wait3A_138 : memref<80xf32, #tpu.memory_space<vmem>>)
    %dma_wait3A_143 = arith.constant 240 : i32
    %dma_wait3A_144 = tpu.memref_slice %arg10[%dma_wait3A_143] : memref<1600xf32, #tpu.memory_space<vmem>> -> memref<80xf32, #tpu.memory_space<vmem>>
    %dma_wait3A_145 = arith.constant 240 : i32
    %dma_wait3A_146 = tpu.memref_slice %arg9[%dma_wait3A_145] : memref<1600xi32, #tpu.memory_space<vmem>> -> memref<80xi32, #tpu.memory_space<vmem>>
    %dma_wait3A_147 = arith.constant 0 : i32
    %dma_wait3A_148 = tpu.memref_slice %arg2[%dma_wait3A_147] : memref<1000000xf32, #tpu.memory_space<hbm>> -> memref<1000000xf32, #tpu.memory_space<hbm>>
    tpu.wait_indirect_dma semaphore(%arg13 : memref<!tpu.dma_semaphore, #tpu.memory_space<semaphore_mem>>) src(%dma_wait3A_148 : memref<1000000xf32, #tpu.memory_space<hbm>>) dst(%dma_wait3A_144 : memref<80xf32, #tpu.memory_space<vmem>>)
    %dma_wait3A_149 = arith.constant 320 : i32
    %dma_wait3A_150 = tpu.memref_slice %arg10[%dma_wait3A_149] : memref<1600xf32, #tpu.memory_space<vmem>> -> memref<80xf32, #tpu.memory_space<vmem>>
    %dma_wait3A_151 = arith.constant 320 : i32
    %dma_wait3A_152 = tpu.memref_slice %arg9[%dma_wait3A_151] : memref<1600xi32, #tpu.memory_space<vmem>> -> memref<80xi32, #tpu.memory_space<vmem>>
    %dma_wait3A_153 = arith.constant 0 : i32
    %dma_wait3A_154 = tpu.memref_slice %arg2[%dma_wait3A_153] : memref<1000000xf32, #tpu.memory_space<hbm>> -> memref<1000000xf32, #tpu.memory_space<hbm>>
    tpu.wait_indirect_dma semaphore(%arg13 : memref<!tpu.dma_semaphore, #tpu.memory_space<semaphore_mem>>) src(%dma_wait3A_154 : memref<1000000xf32, #tpu.memory_space<hbm>>) dst(%dma_wait3A_150 : memref<80xf32, #tpu.memory_space<vmem>>)
    %dma_wait3A_155 = arith.constant 400 : i32
    %dma_wait3A_156 = tpu.memref_slice %arg10[%dma_wait3A_155] : memref<1600xf32, #tpu.memory_space<vmem>> -> memref<80xf32, #tpu.memory_space<vmem>>
    %dma_wait3A_157 = arith.constant 400 : i32
    %dma_wait3A_158 = tpu.memref_slice %arg9[%dma_wait3A_157] : memref<1600xi32, #tpu.memory_space<vmem>> -> memref<80xi32, #tpu.memory_space<vmem>>
    %dma_wait3A_159 = arith.constant 0 : i32
    %dma_wait3A_160 = tpu.memref_slice %arg2[%dma_wait3A_159] : memref<1000000xf32, #tpu.memory_space<hbm>> -> memref<1000000xf32, #tpu.memory_space<hbm>>
    tpu.wait_indirect_dma semaphore(%arg13 : memref<!tpu.dma_semaphore, #tpu.memory_space<semaphore_mem>>) src(%dma_wait3A_160 : memref<1000000xf32, #tpu.memory_space<hbm>>) dst(%dma_wait3A_156 : memref<80xf32, #tpu.memory_space<vmem>>)
    %dma_wait3A_161 = arith.constant 480 : i32
    %dma_wait3A_162 = tpu.memref_slice %arg10[%dma_wait3A_161] : memref<1600xf32, #tpu.memory_space<vmem>> -> memref<80xf32, #tpu.memory_space<vmem>>
    %dma_wait3A_163 = arith.constant 480 : i32
    %dma_wait3A_164 = tpu.memref_slice %arg9[%dma_wait3A_163] : memref<1600xi32, #tpu.memory_space<vmem>> -> memref<80xi32, #tpu.memory_space<vmem>>
    %dma_wait3A_165 = arith.constant 0 : i32
    %dma_wait3A_166 = tpu.memref_slice %arg2[%dma_wait3A_165] : memref<1000000xf32, #tpu.memory_space<hbm>> -> memref<1000000xf32, #tpu.memory_space<hbm>>
    tpu.wait_indirect_dma semaphore(%arg13 : memref<!tpu.dma_semaphore, #tpu.memory_space<semaphore_mem>>) src(%dma_wait3A_166 : memref<1000000xf32, #tpu.memory_space<hbm>>) dst(%dma_wait3A_162 : memref<80xf32, #tpu.memory_space<vmem>>)
    %dma_wait3A_167 = arith.constant 560 : i32
    %dma_wait3A_168 = tpu.memref_slice %arg10[%dma_wait3A_167] : memref<1600xf32, #tpu.memory_space<vmem>> -> memref<80xf32, #tpu.memory_space<vmem>>
    %dma_wait3A_169 = arith.constant 560 : i32
    %dma_wait3A_170 = tpu.memref_slice %arg9[%dma_wait3A_169] : memref<1600xi32, #tpu.memory_space<vmem>> -> memref<80xi32, #tpu.memory_space<vmem>>
    %dma_wait3A_171 = arith.constant 0 : i32
    %dma_wait3A_172 = tpu.memref_slice %arg2[%dma_wait3A_171] : memref<1000000xf32, #tpu.memory_space<hbm>> -> memref<1000000xf32, #tpu.memory_space<hbm>>
    tpu.wait_indirect_dma semaphore(%arg13 : memref<!tpu.dma_semaphore, #tpu.memory_space<semaphore_mem>>) src(%dma_wait3A_172 : memref<1000000xf32, #tpu.memory_space<hbm>>) dst(%dma_wait3A_168 : memref<80xf32, #tpu.memory_space<vmem>>)
    %dma_wait3A_173 = arith.constant 640 : i32
    %dma_wait3A_174 = tpu.memref_slice %arg10[%dma_wait3A_173] : memref<1600xf32, #tpu.memory_space<vmem>> -> memref<80xf32, #tpu.memory_space<vmem>>
    %dma_wait3A_175 = arith.constant 640 : i32
    %dma_wait3A_176 = tpu.memref_slice %arg9[%dma_wait3A_175] : memref<1600xi32, #tpu.memory_space<vmem>> -> memref<80xi32, #tpu.memory_space<vmem>>
    %dma_wait3A_177 = arith.constant 0 : i32
    %dma_wait3A_178 = tpu.memref_slice %arg2[%dma_wait3A_177] : memref<1000000xf32, #tpu.memory_space<hbm>> -> memref<1000000xf32, #tpu.memory_space<hbm>>
    tpu.wait_indirect_dma semaphore(%arg13 : memref<!tpu.dma_semaphore, #tpu.memory_space<semaphore_mem>>) src(%dma_wait3A_178 : memref<1000000xf32, #tpu.memory_space<hbm>>) dst(%dma_wait3A_174 : memref<80xf32, #tpu.memory_space<vmem>>)
    %dma_wait3A_179 = arith.constant 720 : i32
    %dma_wait3A_180 = tpu.memref_slice %arg10[%dma_wait3A_179] : memref<1600xf32, #tpu.memory_space<vmem>> -> memref<80xf32, #tpu.memory_space<vmem>>
    %dma_wait3A_181 = arith.constant 720 : i32
    %dma_wait3A_182 = tpu.memref_slice %arg9[%dma_wait3A_181] : memref<1600xi32, #tpu.memory_space<vmem>> -> memref<80xi32, #tpu.memory_space<vmem>>
    %dma_wait3A_183 = arith.constant 0 : i32
    %dma_wait3A_184 = tpu.memref_slice %arg2[%dma_wait3A_183] : memref<1000000xf32, #tpu.memory_space<hbm>> -> memref<1000000xf32, #tpu.memory_space<hbm>>
    tpu.wait_indirect_dma semaphore(%arg13 : memref<!tpu.dma_semaphore, #tpu.memory_space<semaphore_mem>>) src(%dma_wait3A_184 : memref<1000000xf32, #tpu.memory_space<hbm>>) dst(%dma_wait3A_180 : memref<80xf32, #tpu.memory_space<vmem>>)
    %dma_wait3A_185 = arith.constant 800 : i32
    %dma_wait3A_186 = tpu.memref_slice %arg10[%dma_wait3A_185] : memref<1600xf32, #tpu.memory_space<vmem>> -> memref<80xf32, #tpu.memory_space<vmem>>
    %dma_wait3A_187 = arith.constant 800 : i32
    %dma_wait3A_188 = tpu.memref_slice %arg9[%dma_wait3A_187] : memref<1600xi32, #tpu.memory_space<vmem>> -> memref<80xi32, #tpu.memory_space<vmem>>
    %dma_wait3A_189 = arith.constant 0 : i32
    %dma_wait3A_190 = tpu.memref_slice %arg2[%dma_wait3A_189] : memref<1000000xf32, #tpu.memory_space<hbm>> -> memref<1000000xf32, #tpu.memory_space<hbm>>
    tpu.wait_indirect_dma semaphore(%arg13 : memref<!tpu.dma_semaphore, #tpu.memory_space<semaphore_mem>>) src(%dma_wait3A_190 : memref<1000000xf32, #tpu.memory_space<hbm>>) dst(%dma_wait3A_186 : memref<80xf32, #tpu.memory_space<vmem>>)
    %dma_wait3A_191 = arith.constant 880 : i32
    %dma_wait3A_192 = tpu.memref_slice %arg10[%dma_wait3A_191] : memref<1600xf32, #tpu.memory_space<vmem>> -> memref<80xf32, #tpu.memory_space<vmem>>
    %dma_wait3A_193 = arith.constant 880 : i32
    %dma_wait3A_194 = tpu.memref_slice %arg9[%dma_wait3A_193] : memref<1600xi32, #tpu.memory_space<vmem>> -> memref<80xi32, #tpu.memory_space<vmem>>
    %dma_wait3A_195 = arith.constant 0 : i32
    %dma_wait3A_196 = tpu.memref_slice %arg2[%dma_wait3A_195] : memref<1000000xf32, #tpu.memory_space<hbm>> -> memref<1000000xf32, #tpu.memory_space<hbm>>
    tpu.wait_indirect_dma semaphore(%arg13 : memref<!tpu.dma_semaphore, #tpu.memory_space<semaphore_mem>>) src(%dma_wait3A_196 : memref<1000000xf32, #tpu.memory_space<hbm>>) dst(%dma_wait3A_192 : memref<80xf32, #tpu.memory_space<vmem>>)
    %dma_wait3A_197 = arith.constant 960 : i32
    %dma_wait3A_198 = tpu.memref_slice %arg10[%dma_wait3A_197] : memref<1600xf32, #tpu.memory_space<vmem>> -> memref<80xf32, #tpu.memory_space<vmem>>
    %dma_wait3A_199 = arith.constant 960 : i32
    %dma_wait3A_200 = tpu.memref_slice %arg9[%dma_wait3A_199] : memref<1600xi32, #tpu.memory_space<vmem>> -> memref<80xi32, #tpu.memory_space<vmem>>
    %dma_wait3A_201 = arith.constant 0 : i32
    %dma_wait3A_202 = tpu.memref_slice %arg2[%dma_wait3A_201] : memref<1000000xf32, #tpu.memory_space<hbm>> -> memref<1000000xf32, #tpu.memory_space<hbm>>
    tpu.wait_indirect_dma semaphore(%arg13 : memref<!tpu.dma_semaphore, #tpu.memory_space<semaphore_mem>>) src(%dma_wait3A_202 : memref<1000000xf32, #tpu.memory_space<hbm>>) dst(%dma_wait3A_198 : memref<80xf32, #tpu.memory_space<vmem>>)
    %dma_wait3A_203 = arith.constant 1040 : i32
    %dma_wait3A_204 = tpu.memref_slice %arg10[%dma_wait3A_203] : memref<1600xf32, #tpu.memory_space<vmem>> -> memref<80xf32, #tpu.memory_space<vmem>>
    %dma_wait3A_205 = arith.constant 1040 : i32
    %dma_wait3A_206 = tpu.memref_slice %arg9[%dma_wait3A_205] : memref<1600xi32, #tpu.memory_space<vmem>> -> memref<80xi32, #tpu.memory_space<vmem>>
    %dma_wait3A_207 = arith.constant 0 : i32
    %dma_wait3A_208 = tpu.memref_slice %arg2[%dma_wait3A_207] : memref<1000000xf32, #tpu.memory_space<hbm>> -> memref<1000000xf32, #tpu.memory_space<hbm>>
    tpu.wait_indirect_dma semaphore(%arg13 : memref<!tpu.dma_semaphore, #tpu.memory_space<semaphore_mem>>) src(%dma_wait3A_208 : memref<1000000xf32, #tpu.memory_space<hbm>>) dst(%dma_wait3A_204 : memref<80xf32, #tpu.memory_space<vmem>>)
    %dma_wait3A_209 = arith.constant 1120 : i32
    %dma_wait3A_210 = tpu.memref_slice %arg10[%dma_wait3A_209] : memref<1600xf32, #tpu.memory_space<vmem>> -> memref<80xf32, #tpu.memory_space<vmem>>
    %dma_wait3A_211 = arith.constant 1120 : i32
    %dma_wait3A_212 = tpu.memref_slice %arg9[%dma_wait3A_211] : memref<1600xi32, #tpu.memory_space<vmem>> -> memref<80xi32, #tpu.memory_space<vmem>>
    %dma_wait3A_213 = arith.constant 0 : i32
    %dma_wait3A_214 = tpu.memref_slice %arg2[%dma_wait3A_213] : memref<1000000xf32, #tpu.memory_space<hbm>> -> memref<1000000xf32, #tpu.memory_space<hbm>>
    tpu.wait_indirect_dma semaphore(%arg13 : memref<!tpu.dma_semaphore, #tpu.memory_space<semaphore_mem>>) src(%dma_wait3A_214 : memref<1000000xf32, #tpu.memory_space<hbm>>) dst(%dma_wait3A_210 : memref<80xf32, #tpu.memory_space<vmem>>)
    %dma_wait3A_215 = arith.constant 1200 : i32
    %dma_wait3A_216 = tpu.memref_slice %arg10[%dma_wait3A_215] : memref<1600xf32, #tpu.memory_space<vmem>> -> memref<80xf32, #tpu.memory_space<vmem>>
    %dma_wait3A_217 = arith.constant 1200 : i32
    %dma_wait3A_218 = tpu.memref_slice %arg9[%dma_wait3A_217] : memref<1600xi32, #tpu.memory_space<vmem>> -> memref<80xi32, #tpu.memory_space<vmem>>
    %dma_wait3A_219 = arith.constant 0 : i32
    %dma_wait3A_220 = tpu.memref_slice %arg2[%dma_wait3A_219] : memref<1000000xf32, #tpu.memory_space<hbm>> -> memref<1000000xf32, #tpu.memory_space<hbm>>
    tpu.wait_indirect_dma semaphore(%arg13 : memref<!tpu.dma_semaphore, #tpu.memory_space<semaphore_mem>>) src(%dma_wait3A_220 : memref<1000000xf32, #tpu.memory_space<hbm>>) dst(%dma_wait3A_216 : memref<80xf32, #tpu.memory_space<vmem>>)
    %dma_wait3A_221 = arith.constant 1280 : i32
    %dma_wait3A_222 = tpu.memref_slice %arg10[%dma_wait3A_221] : memref<1600xf32, #tpu.memory_space<vmem>> -> memref<80xf32, #tpu.memory_space<vmem>>
    %dma_wait3A_223 = arith.constant 1280 : i32
    %dma_wait3A_224 = tpu.memref_slice %arg9[%dma_wait3A_223] : memref<1600xi32, #tpu.memory_space<vmem>> -> memref<80xi32, #tpu.memory_space<vmem>>
    %dma_wait3A_225 = arith.constant 0 : i32
    %dma_wait3A_226 = tpu.memref_slice %arg2[%dma_wait3A_225] : memref<1000000xf32, #tpu.memory_space<hbm>> -> memref<1000000xf32, #tpu.memory_space<hbm>>
    tpu.wait_indirect_dma semaphore(%arg13 : memref<!tpu.dma_semaphore, #tpu.memory_space<semaphore_mem>>) src(%dma_wait3A_226 : memref<1000000xf32, #tpu.memory_space<hbm>>) dst(%dma_wait3A_222 : memref<80xf32, #tpu.memory_space<vmem>>)
    %dma_wait3A_227 = arith.constant 1360 : i32
    %dma_wait3A_228 = tpu.memref_slice %arg10[%dma_wait3A_227] : memref<1600xf32, #tpu.memory_space<vmem>> -> memref<80xf32, #tpu.memory_space<vmem>>
    %dma_wait3A_229 = arith.constant 1360 : i32
    %dma_wait3A_230 = tpu.memref_slice %arg9[%dma_wait3A_229] : memref<1600xi32, #tpu.memory_space<vmem>> -> memref<80xi32, #tpu.memory_space<vmem>>
    %dma_wait3A_231 = arith.constant 0 : i32
    %dma_wait3A_232 = tpu.memref_slice %arg2[%dma_wait3A_231] : memref<1000000xf32, #tpu.memory_space<hbm>> -> memref<1000000xf32, #tpu.memory_space<hbm>>
    tpu.wait_indirect_dma semaphore(%arg13 : memref<!tpu.dma_semaphore, #tpu.memory_space<semaphore_mem>>) src(%dma_wait3A_232 : memref<1000000xf32, #tpu.memory_space<hbm>>) dst(%dma_wait3A_228 : memref<80xf32, #tpu.memory_space<vmem>>)
    %dma_wait3A_233 = arith.constant 1440 : i32
    %dma_wait3A_234 = tpu.memref_slice %arg10[%dma_wait3A_233] : memref<1600xf32, #tpu.memory_space<vmem>> -> memref<80xf32, #tpu.memory_space<vmem>>
    %dma_wait3A_235 = arith.constant 1440 : i32
    %dma_wait3A_236 = tpu.memref_slice %arg9[%dma_wait3A_235] : memref<1600xi32, #tpu.memory_space<vmem>> -> memref<80xi32, #tpu.memory_space<vmem>>
    %dma_wait3A_237 = arith.constant 0 : i32
    %dma_wait3A_238 = tpu.memref_slice %arg2[%dma_wait3A_237] : memref<1000000xf32, #tpu.memory_space<hbm>> -> memref<1000000xf32, #tpu.memory_space<hbm>>
    tpu.wait_indirect_dma semaphore(%arg13 : memref<!tpu.dma_semaphore, #tpu.memory_space<semaphore_mem>>) src(%dma_wait3A_238 : memref<1000000xf32, #tpu.memory_space<hbm>>) dst(%dma_wait3A_234 : memref<80xf32, #tpu.memory_space<vmem>>)
    %dma_wait3A_239 = arith.constant 1520 : i32
    %dma_wait3A_240 = tpu.memref_slice %arg10[%dma_wait3A_239] : memref<1600xf32, #tpu.memory_space<vmem>> -> memref<80xf32, #tpu.memory_space<vmem>>
    %dma_wait3A_241 = arith.constant 1520 : i32
    %dma_wait3A_242 = tpu.memref_slice %arg9[%dma_wait3A_241] : memref<1600xi32, #tpu.memory_space<vmem>> -> memref<80xi32, #tpu.memory_space<vmem>>
    %dma_wait3A_243 = arith.constant 0 : i32
    %dma_wait3A_244 = tpu.memref_slice %arg2[%dma_wait3A_243] : memref<1000000xf32, #tpu.memory_space<hbm>> -> memref<1000000xf32, #tpu.memory_space<hbm>>
    tpu.wait_indirect_dma semaphore(%arg13 : memref<!tpu.dma_semaphore, #tpu.memory_space<semaphore_mem>>) src(%dma_wait3A_244 : memref<1000000xf32, #tpu.memory_space<hbm>>) dst(%dma_wait3A_240 : memref<80xf32, #tpu.memory_space<vmem>>)
    %broadcast_in_dim3A = arith.constant 0.000000e+00 : f32
    %broadcast_in_dim3A_245 = vector.broadcast %broadcast_in_dim3A : f32 to vector<16xf32>
    %scan3A_246 = arith.constant 0 : i32
    %scan3A_247 = arith.constant 100 : i32
    %scan3A_248 = arith.addi %scan3A_246, %scan3A_247 : i32
    %scan3A_249 = arith.constant 1 : i32
    %scan3A_250 = scf.for %scan3A_253 = %scan3A_246 to %scan3A_248 step %scan3A_249 iter_args(%scan3A_254 = %broadcast_in_dim3A_245) -> (vector<16xf32>)  : i32 {
      %mul3A_255 = arith.constant 16 : i32
      %mul3A_256 = arith.muli %scan3A_253, %mul3A_255 : i32
      %add3A_257 = arith.constant 0 : i32
      %add3A_258 = arith.addi %add3A_257, %mul3A_256 : i32
      %get3A = arith.index_cast %add3A_258 : i32 to index
      %get3A_259 = tpu.vector_load %arg7[%get3A] {strides = array<i32>} : memref<1600xi32, #tpu.memory_space<vmem>>, vector<16xi32>,
      %gather3A = tpu.vector_load_idx %arg11[%get3A_259] : memref<1000xf32, #tpu.memory_space<vmem>>[vector<16xi32>], vector<16xf32>,
      %get3A_260 = arith.index_cast %add3A_258 : i32 to index
      %get3A_261 = tpu.vector_load %arg10[%get3A_260] {strides = array<i32>} : memref<1600xf32, #tpu.memory_space<vmem>>, vector<16xf32>,
      %sub3A = arith.subf %gather3A, %get3A_261 : vector<16xf32>
      %add3A_262 = arith.addf %scan3A_254, %sub3A : vector<16xf32>
      scf.yield %add3A_262 : vector<16xf32>
    }
    %scan3A_251 = arith.constant 100 : i32
    %swap3A = arith.constant 0 : index
    %swap3A_252 = tpu.vector_load %arg12[%swap3A] {strides = array<i32>} : memref<16xf32, #tpu.memory_space<vmem>>, vector<16xf32>,
    tpu.vector_store %arg12[%swap3A], %scan3A_250 {strides = array<i32>} : memref<16xf32, #tpu.memory_space<vmem>>, vector<16xf32>,
    "tpu.region"() ({
      %run_scoped3A = tpu.sem_alloc : memref<!tpu.dma_semaphore, #tpu.memory_space<semaphore_mem>>
      %dma_start3A_253 = arith.constant 0 : i32
      %dma_start3A_254 = tpu.memref_slice %arg6[%add3A, %dma_start3A_253] : memref<32x16xf32, #tpu.memory_space<hbm>> -> memref<1x16xf32, #tpu.memory_space<hbm>>
      %dma_start3A_255 = tpu.memref_squeeze %dma_start3A_254 : memref<1x16xf32, #tpu.memory_space<hbm>> -> memref<16xf32, #tpu.memory_space<hbm>>
      %dma_start3A_256 = arith.constant 0 : i32
      %dma_start3A_257 = tpu.memref_slice %arg6[%add3A, %dma_start3A_256] : memref<32x16xf32, #tpu.memory_space<hbm>> -> memref<1x16xf32, #tpu.memory_space<hbm>>
      %dma_start3A_258 = tpu.memref_squeeze %dma_start3A_257 : memref<1x16xf32, #tpu.memory_space<hbm>> -> memref<16xf32, #tpu.memory_space<hbm>>
      tpu.enqueue_dma source(%arg12 : memref<16xf32, #tpu.memory_space<vmem>>) target(%dma_start3A_258 : memref<16xf32, #tpu.memory_space<hbm>>) target_semaphore(%run_scoped3A : memref<!tpu.dma_semaphore, #tpu.memory_space<semaphore_mem>>)
      %dma_wait3A_259 = arith.constant 0 : i32
      %dma_wait3A_260 = tpu.memref_slice %arg6[%add3A, %dma_wait3A_259] : memref<32x16xf32, #tpu.memory_space<hbm>> -> memref<1x16xf32, #tpu.memory_space<hbm>>
      %dma_wait3A_261 = tpu.memref_squeeze %dma_wait3A_260 : memref<1x16xf32, #tpu.memory_space<hbm>> -> memref<16xf32, #tpu.memory_space<hbm>>
      %dma_wait3A_262 = arith.constant 0 : i32
      %dma_wait3A_263 = tpu.memref_slice %arg6[%add3A, %dma_wait3A_262] : memref<32x16xf32, #tpu.memory_space<hbm>> -> memref<1x16xf32, #tpu.memory_space<hbm>>
      %dma_wait3A_264 = tpu.memref_squeeze %dma_wait3A_263 : memref<1x16xf32, #tpu.memory_space<hbm>> -> memref<16xf32, #tpu.memory_space<hbm>>
      tpu.wait_dma2 semaphore(%run_scoped3A : memref<!tpu.dma_semaphore, #tpu.memory_space<semaphore_mem>>) src(%arg12 : memref<16xf32, #tpu.memory_space<vmem>>) dst(%dma_wait3A_264 : memref<16xf32, #tpu.memory_space<hbm>>)
      tpu.yield
    }) : () -> ()
    return
  }
}

#map = affine_map<(d0, d1) -> (0, 0, 0)>
#map1 = affine_map<(d0, d1) -> (0)>
#map2 = affine_map<(d0, d1) -> (0, 0, 0, 0)>
module attributes {stable_mosaic.version = 14 : i64} {
  func.func @_sc_gather_t(%arg0: i32, %arg1: i32, %arg2: memref<1000x8x128xf32, #tpu.memory_space<hbm>>, %arg3: memref<51200xi32, #tpu.memory_space<hbm>>, %arg4: memref<50x125x8x1024xf32, #tpu.memory_space<hbm>>, %arg5: memref<128xi32, #tpu.memory_space<vmem>>, %arg6: memref<16x8x128xf32, #tpu.memory_space<vmem>>, %arg7: memref<16x8x128xf32, #tpu.memory_space<vmem>>, %arg8: memref<64x8x128xf32, #tpu.memory_space<vmem>>, %arg9: memref<!tpu.dma_semaphore, #tpu.memory_space<semaphore_mem>>, %arg10: memref<!tpu.dma_semaphore, #tpu.memory_space<semaphore_mem>>, %arg11: memref<!tpu.dma_semaphore, #tpu.memory_space<semaphore_mem>>) attributes {dimension_semantics = [#tpu.dimension_semantics<core_parallel>, #tpu.dimension_semantics<subcore_parallel>], iteration_bounds = array<i64: 2, 16>, scalar_prefetch = 0 : i64, scratch_operands = 7 : i64, tpu.core_type = #tpu.core_type<sc_vector_subcore>, window_params = [{transform_indices = #map}, {transform_indices = #map1}, {transform_indices = #map2}]} {
    %mul3A = arith.constant 2 : i32
    %mul3A_0 = arith.muli %arg1, %mul3A : i32
    %add3A = arith.addi %mul3A_0, %arg0 : i32
    %iota3A = tpu.iota {dimensions = array<i32: 0>} : vector<16xi32>
    %scan3A = arith.constant 0 : i32
    %scan3A_1 = arith.constant 25 : i32
    %scan3A_2 = arith.addi %scan3A, %scan3A_1 : i32
    %scan3A_3 = arith.constant 1 : i32
    scf.for %scan3A_5 = %scan3A to %scan3A_2 step %scan3A_3  : i32 {
      %mul3A_6 = arith.constant 1 : i32
      %mul3A_7 = arith.muli %scan3A_5, %mul3A_6 : i32
      %add3A_8 = arith.constant 0 : i32
      %add3A_9 = arith.addi %add3A_8, %mul3A_7 : i32
      %mul3A_10 = arith.constant 32 : i32
      %mul3A_11 = arith.muli %mul3A_10, %add3A_9 : i32
      %add3A_12 = arith.addi %add3A, %mul3A_11 : i32
      %jit3A = arith.constant 16 : i32
      %div3A = arith.divsi %add3A_12, %jit3A : i32
      %sign3A = arith.constant 0 : i32
      %sign3A_13 = arith.cmpi sgt, %add3A_12, %sign3A : i32
      %sign3A_14 = arith.extui %sign3A_13 : i1 to i32
      %sign3A_15 = arith.constant 0 : i32
      %sign3A_16 = arith.cmpi slt, %add3A_12, %sign3A_15 : i32
      %sign3A_17 = arith.extui %sign3A_16 : i1 to i32
      %sign3A_18 = arith.subi %sign3A_14, %sign3A_17 : i32
      %sign3A_19 = arith.constant 0 : i32
      %sign3A_20 = arith.cmpi sgt, %jit3A, %sign3A_19 : i32
      %sign3A_21 = arith.extui %sign3A_20 : i1 to i32
      %sign3A_22 = arith.constant 0 : i32
      %sign3A_23 = arith.cmpi slt, %jit3A, %sign3A_22 : i32
      %sign3A_24 = arith.extui %sign3A_23 : i1 to i32
      %sign3A_25 = arith.subi %sign3A_21, %sign3A_24 : i32
      %ne3A = arith.cmpi ne, %sign3A_18, %sign3A_25 : i32
      %rem3A = arith.remsi %add3A_12, %jit3A : i32
      %ne3A_26 = arith.constant 0 : i32
      %ne3A_27 = arith.cmpi ne, %rem3A, %ne3A_26 : i32
      %and3A = arith.andi %ne3A, %ne3A_27 : i1
      %sub3A = arith.constant 1 : i32
      %sub3A_28 = arith.subi %div3A, %sub3A : i32
      %select_n3A = arith.select %and3A, %sub3A_28, %div3A : i32
      %jit3A_29 = arith.constant 16 : i32
      %eq3A = arith.constant 0 : i32
      %eq3A_30 = arith.cmpi eq, %jit3A_29, %eq3A : i32
      %jit3A_31 = arith.constant 1 : i32
      %select_n3A_32 = arith.select %eq3A_30, %jit3A_31, %jit3A_29 : i32
      %rem3A_33 = arith.remsi %add3A_12, %select_n3A_32 : i32
      %ne3A_34 = arith.constant 0 : i32
      %ne3A_35 = arith.cmpi ne, %rem3A_33, %ne3A_34 : i32
      %lt3A = arith.constant 0 : i32
      %lt3A_36 = arith.cmpi slt, %rem3A_33, %lt3A : i32
      %lt3A_37 = arith.constant 0 : i32
      %lt3A_38 = arith.cmpi slt, %select_n3A_32, %lt3A_37 : i32
      %ne3A_39 = arith.xori %lt3A_36, %lt3A_38 : i1
      %and3A_40 = arith.andi %ne3A_39, %ne3A_35 : i1
      %add3A_41 = arith.addi %rem3A_33, %select_n3A_32 : i32
      %select_n3A_42 = arith.select %and3A_40, %add3A_41, %rem3A_33 : i32
      %jit3A_43 = arith.constant 2 : i32
      %div3A_44 = arith.divsi %select_n3A_42, %jit3A_43 : i32
      %sign3A_45 = arith.constant 0 : i32
      %sign3A_46 = arith.cmpi sgt, %select_n3A_42, %sign3A_45 : i32
      %sign3A_47 = arith.extui %sign3A_46 : i1 to i32
      %sign3A_48 = arith.constant 0 : i32
      %sign3A_49 = arith.cmpi slt, %select_n3A_42, %sign3A_48 : i32
      %sign3A_50 = arith.extui %sign3A_49 : i1 to i32
      %sign3A_51 = arith.subi %sign3A_47, %sign3A_50 : i32
      %sign3A_52 = arith.constant 0 : i32
      %sign3A_53 = arith.cmpi sgt, %jit3A_43, %sign3A_52 : i32
      %sign3A_54 = arith.extui %sign3A_53 : i1 to i32
      %sign3A_55 = arith.constant 0 : i32
      %sign3A_56 = arith.cmpi slt, %jit3A_43, %sign3A_55 : i32
      %sign3A_57 = arith.extui %sign3A_56 : i1 to i32
      %sign3A_58 = arith.subi %sign3A_54, %sign3A_57 : i32
      %ne3A_59 = arith.cmpi ne, %sign3A_51, %sign3A_58 : i32
      %rem3A_60 = arith.remsi %select_n3A_42, %jit3A_43 : i32
      %ne3A_61 = arith.constant 0 : i32
      %ne3A_62 = arith.cmpi ne, %rem3A_60, %ne3A_61 : i32
      %and3A_63 = arith.andi %ne3A_59, %ne3A_62 : i1
      %sub3A_64 = arith.constant 1 : i32
      %sub3A_65 = arith.subi %div3A_44, %sub3A_64 : i32
      %select_n3A_66 = arith.select %and3A_63, %sub3A_65, %div3A_44 : i32
      %jit3A_67 = arith.constant 2 : i32
      %eq3A_68 = arith.constant 0 : i32
      %eq3A_69 = arith.cmpi eq, %jit3A_67, %eq3A_68 : i32
      %jit3A_70 = arith.constant 1 : i32
      %select_n3A_71 = arith.select %eq3A_69, %jit3A_70, %jit3A_67 : i32
      %rem3A_72 = arith.remsi %select_n3A_42, %select_n3A_71 : i32
      %ne3A_73 = arith.constant 0 : i32
      %ne3A_74 = arith.cmpi ne, %rem3A_72, %ne3A_73 : i32
      %lt3A_75 = arith.constant 0 : i32
      %lt3A_76 = arith.cmpi slt, %rem3A_72, %lt3A_75 : i32
      %lt3A_77 = arith.constant 0 : i32
      %lt3A_78 = arith.cmpi slt, %select_n3A_71, %lt3A_77 : i32
      %ne3A_79 = arith.xori %lt3A_76, %lt3A_78 : i1
      %and3A_80 = arith.andi %ne3A_79, %ne3A_74 : i1
      %add3A_81 = arith.addi %rem3A_72, %select_n3A_71 : i32
      %select_n3A_82 = arith.select %and3A_80, %add3A_81, %rem3A_72 : i32
      %eq3A_83 = arith.constant 0 : i32
      %eq3A_84 = arith.cmpi eq, %select_n3A_82, %eq3A_83 : i32
      %jit3A_85 = arith.constant 64 : i32
      %jit3A_86 = arith.constant 61 : i32
      %select_n3A_87 = arith.select %eq3A_84, %jit3A_85, %jit3A_86 : i32
      %mul3A_88 = arith.constant 1024 : i32
      %mul3A_89 = arith.muli %select_n3A, %mul3A_88 : i32
      %mul3A_90 = arith.constant 128 : i32
      %mul3A_91 = arith.muli %select_n3A_66, %mul3A_90 : i32
      %add3A_92 = arith.addi %mul3A_89, %mul3A_91 : i32
      "tpu.region"() ({
        %run_scoped3A = tpu.sem_alloc : memref<!tpu.dma_semaphore, #tpu.memory_space<semaphore_mem>>
        %dma_start3A_191 = tpu.memref_slice %arg3[%add3A_92] : memref<51200xi32, #tpu.memory_space<hbm>> -> memref<128xi32, #tpu.memory_space<hbm>>
        %dma_start3A_192 = tpu.memref_slice %arg3[%add3A_92] : memref<51200xi32, #tpu.memory_space<hbm>> -> memref<128xi32, #tpu.memory_space<hbm>>
        tpu.enqueue_dma source(%dma_start3A_192 : memref<128xi32, #tpu.memory_space<hbm>>) target(%arg5 : memref<128xi32, #tpu.memory_space<vmem>>) target_semaphore(%run_scoped3A : memref<!tpu.dma_semaphore, #tpu.memory_space<semaphore_mem>>)
        %dma_wait3A_193 = tpu.memref_slice %arg3[%add3A_92] : memref<51200xi32, #tpu.memory_space<hbm>> -> memref<128xi32, #tpu.memory_space<hbm>>
        %dma_wait3A_194 = tpu.memref_slice %arg3[%add3A_92] : memref<51200xi32, #tpu.memory_space<hbm>> -> memref<128xi32, #tpu.memory_space<hbm>>
        tpu.wait_dma2 semaphore(%run_scoped3A : memref<!tpu.dma_semaphore, #tpu.memory_space<semaphore_mem>>) src(%dma_wait3A_194 : memref<128xi32, #tpu.memory_space<hbm>>) dst(%arg5 : memref<128xi32, #tpu.memory_space<vmem>>)
        tpu.yield
      }) : () -> ()
      %dma_start3A = arith.constant 0 : i32
      %dma_start3A_93 = tpu.memref_slice %arg5[%dma_start3A] : memref<128xi32, #tpu.memory_space<vmem>> -> memref<16xi32, #tpu.memory_space<vmem>>
      %dma_start3A_94 = arith.constant 0 : i32
      %dma_start3A_95 = arith.constant 0 : i32
      %dma_start3A_96 = arith.constant 0 : i32
      %dma_start3A_97 = tpu.memref_slice %arg2[%dma_start3A_94, %dma_start3A_95, %dma_start3A_96] : memref<1000x8x128xf32, #tpu.memory_space<hbm>> -> memref<1000x8x128xf32, #tpu.memory_space<hbm>>
      tpu.enqueue_indirect_dma source(%dma_start3A_97 : memref<1000x8x128xf32, #tpu.memory_space<hbm>>) target(%arg6 : memref<16x8x128xf32, #tpu.memory_space<vmem>>) offsets(%dma_start3A_93 : memref<16xi32, #tpu.memory_space<vmem>>) semaphore(%arg9 : memref<!tpu.dma_semaphore, #tpu.memory_space<semaphore_mem>>)
      %dma_start3A_98 = arith.constant 16 : i32
      %dma_start3A_99 = tpu.memref_slice %arg5[%dma_start3A_98] : memref<128xi32, #tpu.memory_space<vmem>> -> memref<16xi32, #tpu.memory_space<vmem>>
      %dma_start3A_100 = arith.constant 0 : i32
      %dma_start3A_101 = arith.constant 0 : i32
      %dma_start3A_102 = arith.constant 0 : i32
      %dma_start3A_103 = tpu.memref_slice %arg2[%dma_start3A_100, %dma_start3A_101, %dma_start3A_102] : memref<1000x8x128xf32, #tpu.memory_space<hbm>> -> memref<1000x8x128xf32, #tpu.memory_space<hbm>>
      tpu.enqueue_indirect_dma source(%dma_start3A_103 : memref<1000x8x128xf32, #tpu.memory_space<hbm>>) target(%arg7 : memref<16x8x128xf32, #tpu.memory_space<vmem>>) offsets(%dma_start3A_99 : memref<16xi32, #tpu.memory_space<vmem>>) semaphore(%arg10 : memref<!tpu.dma_semaphore, #tpu.memory_space<semaphore_mem>>)
      %dma_wait3A = arith.constant 0 : i32
      %dma_wait3A_104 = tpu.memref_slice %arg5[%dma_wait3A] : memref<128xi32, #tpu.memory_space<vmem>> -> memref<16xi32, #tpu.memory_space<vmem>>
      %dma_wait3A_105 = arith.constant 0 : i32
      %dma_wait3A_106 = arith.constant 0 : i32
      %dma_wait3A_107 = arith.constant 0 : i32
      %dma_wait3A_108 = tpu.memref_slice %arg2[%dma_wait3A_105, %dma_wait3A_106, %dma_wait3A_107] : memref<1000x8x128xf32, #tpu.memory_space<hbm>> -> memref<1000x8x128xf32, #tpu.memory_space<hbm>>
      tpu.wait_indirect_dma semaphore(%arg9 : memref<!tpu.dma_semaphore, #tpu.memory_space<semaphore_mem>>) src(%dma_wait3A_108 : memref<1000x8x128xf32, #tpu.memory_space<hbm>>) dst(%arg6 : memref<16x8x128xf32, #tpu.memory_space<vmem>>)
      %dma_wait3A_109 = arith.constant 16 : i32
      %dma_wait3A_110 = tpu.memref_slice %arg5[%dma_wait3A_109] : memref<128xi32, #tpu.memory_space<vmem>> -> memref<16xi32, #tpu.memory_space<vmem>>
      %dma_wait3A_111 = arith.constant 0 : i32
      %dma_wait3A_112 = arith.constant 0 : i32
      %dma_wait3A_113 = arith.constant 0 : i32
      %dma_wait3A_114 = tpu.memref_slice %arg2[%dma_wait3A_111, %dma_wait3A_112, %dma_wait3A_113] : memref<1000x8x128xf32, #tpu.memory_space<hbm>> -> memref<1000x8x128xf32, #tpu.memory_space<hbm>>
      tpu.wait_indirect_dma semaphore(%arg10 : memref<!tpu.dma_semaphore, #tpu.memory_space<semaphore_mem>>) src(%dma_wait3A_114 : memref<1000x8x128xf32, #tpu.memory_space<hbm>>) dst(%arg7 : memref<16x8x128xf32, #tpu.memory_space<vmem>>)
      %dma_start3A_115 = arith.constant 32 : i32
      %dma_start3A_116 = tpu.memref_slice %arg5[%dma_start3A_115] : memref<128xi32, #tpu.memory_space<vmem>> -> memref<16xi32, #tpu.memory_space<vmem>>
      %dma_start3A_117 = arith.constant 0 : i32
      %dma_start3A_118 = arith.constant 0 : i32
      %dma_start3A_119 = arith.constant 0 : i32
      %dma_start3A_120 = tpu.memref_slice %arg2[%dma_start3A_117, %dma_start3A_118, %dma_start3A_119] : memref<1000x8x128xf32, #tpu.memory_space<hbm>> -> memref<1000x8x128xf32, #tpu.memory_space<hbm>>
      tpu.enqueue_indirect_dma source(%dma_start3A_120 : memref<1000x8x128xf32, #tpu.memory_space<hbm>>) target(%arg6 : memref<16x8x128xf32, #tpu.memory_space<vmem>>) offsets(%dma_start3A_116 : memref<16xi32, #tpu.memory_space<vmem>>) semaphore(%arg9 : memref<!tpu.dma_semaphore, #tpu.memory_space<semaphore_mem>>)
      %dma_start3A_121 = arith.constant 48 : i32
      %dma_start3A_122 = tpu.memref_slice %arg5[%dma_start3A_121] : memref<128xi32, #tpu.memory_space<vmem>> -> memref<16xi32, #tpu.memory_space<vmem>>
      %dma_start3A_123 = arith.constant 0 : i32
      %dma_start3A_124 = arith.constant 0 : i32
      %dma_start3A_125 = arith.constant 0 : i32
      %dma_start3A_126 = tpu.memref_slice %arg2[%dma_start3A_123, %dma_start3A_124, %dma_start3A_125] : memref<1000x8x128xf32, #tpu.memory_space<hbm>> -> memref<1000x8x128xf32, #tpu.memory_space<hbm>>
      tpu.enqueue_indirect_dma source(%dma_start3A_126 : memref<1000x8x128xf32, #tpu.memory_space<hbm>>) target(%arg7 : memref<16x8x128xf32, #tpu.memory_space<vmem>>) offsets(%dma_start3A_122 : memref<16xi32, #tpu.memory_space<vmem>>) semaphore(%arg10 : memref<!tpu.dma_semaphore, #tpu.memory_space<semaphore_mem>>)
      %dma_wait3A_127 = arith.constant 32 : i32
      %dma_wait3A_128 = tpu.memref_slice %arg5[%dma_wait3A_127] : memref<128xi32, #tpu.memory_space<vmem>> -> memref<16xi32, #tpu.memory_space<vmem>>
      %dma_wait3A_129 = arith.constant 0 : i32
      %dma_wait3A_130 = arith.constant 0 : i32
      %dma_wait3A_131 = arith.constant 0 : i32
      %dma_wait3A_132 = tpu.memref_slice %arg2[%dma_wait3A_129, %dma_wait3A_130, %dma_wait3A_131] : memref<1000x8x128xf32, #tpu.memory_space<hbm>> -> memref<1000x8x128xf32, #tpu.memory_space<hbm>>
      tpu.wait_indirect_dma semaphore(%arg9 : memref<!tpu.dma_semaphore, #tpu.memory_space<semaphore_mem>>) src(%dma_wait3A_132 : memref<1000x8x128xf32, #tpu.memory_space<hbm>>) dst(%arg6 : memref<16x8x128xf32, #tpu.memory_space<vmem>>)
      %dma_wait3A_133 = arith.constant 48 : i32
      %dma_wait3A_134 = tpu.memref_slice %arg5[%dma_wait3A_133] : memref<128xi32, #tpu.memory_space<vmem>> -> memref<16xi32, #tpu.memory_space<vmem>>
      %dma_wait3A_135 = arith.constant 0 : i32
      %dma_wait3A_136 = arith.constant 0 : i32
      %dma_wait3A_137 = arith.constant 0 : i32
      %dma_wait3A_138 = tpu.memref_slice %arg2[%dma_wait3A_135, %dma_wait3A_136, %dma_wait3A_137] : memref<1000x8x128xf32, #tpu.memory_space<hbm>> -> memref<1000x8x128xf32, #tpu.memory_space<hbm>>
      tpu.wait_indirect_dma semaphore(%arg10 : memref<!tpu.dma_semaphore, #tpu.memory_space<semaphore_mem>>) src(%dma_wait3A_138 : memref<1000x8x128xf32, #tpu.memory_space<hbm>>) dst(%arg7 : memref<16x8x128xf32, #tpu.memory_space<vmem>>)
      %dma_start3A_139 = arith.constant 64 : i32
      %dma_start3A_140 = tpu.memref_slice %arg5[%dma_start3A_139] : memref<128xi32, #tpu.memory_space<vmem>> -> memref<16xi32, #tpu.memory_space<vmem>>
      %dma_start3A_141 = arith.constant 0 : i32
      %dma_start3A_142 = arith.constant 0 : i32
      %dma_start3A_143 = arith.constant 0 : i32
      %dma_start3A_144 = tpu.memref_slice %arg2[%dma_start3A_141, %dma_start3A_142, %dma_start3A_143] : memref<1000x8x128xf32, #tpu.memory_space<hbm>> -> memref<1000x8x128xf32, #tpu.memory_space<hbm>>
      tpu.enqueue_indirect_dma source(%dma_start3A_144 : memref<1000x8x128xf32, #tpu.memory_space<hbm>>) target(%arg6 : memref<16x8x128xf32, #tpu.memory_space<vmem>>) offsets(%dma_start3A_140 : memref<16xi32, #tpu.memory_space<vmem>>) semaphore(%arg9 : memref<!tpu.dma_semaphore, #tpu.memory_space<semaphore_mem>>)
      %dma_start3A_145 = arith.constant 80 : i32
      %dma_start3A_146 = tpu.memref_slice %arg5[%dma_start3A_145] : memref<128xi32, #tpu.memory_space<vmem>> -> memref<16xi32, #tpu.memory_space<vmem>>
      %dma_start3A_147 = arith.constant 0 : i32
      %dma_start3A_148 = arith.constant 0 : i32
      %dma_start3A_149 = arith.constant 0 : i32
      %dma_start3A_150 = tpu.memref_slice %arg2[%dma_start3A_147, %dma_start3A_148, %dma_start3A_149] : memref<1000x8x128xf32, #tpu.memory_space<hbm>> -> memref<1000x8x128xf32, #tpu.memory_space<hbm>>
      tpu.enqueue_indirect_dma source(%dma_start3A_150 : memref<1000x8x128xf32, #tpu.memory_space<hbm>>) target(%arg7 : memref<16x8x128xf32, #tpu.memory_space<vmem>>) offsets(%dma_start3A_146 : memref<16xi32, #tpu.memory_space<vmem>>) semaphore(%arg10 : memref<!tpu.dma_semaphore, #tpu.memory_space<semaphore_mem>>)
      %dma_wait3A_151 = arith.constant 64 : i32
      %dma_wait3A_152 = tpu.memref_slice %arg5[%dma_wait3A_151] : memref<128xi32, #tpu.memory_space<vmem>> -> memref<16xi32, #tpu.memory_space<vmem>>
      %dma_wait3A_153 = arith.constant 0 : i32
      %dma_wait3A_154 = arith.constant 0 : i32
      %dma_wait3A_155 = arith.constant 0 : i32
      %dma_wait3A_156 = tpu.memref_slice %arg2[%dma_wait3A_153, %dma_wait3A_154, %dma_wait3A_155] : memref<1000x8x128xf32, #tpu.memory_space<hbm>> -> memref<1000x8x128xf32, #tpu.memory_space<hbm>>
      tpu.wait_indirect_dma semaphore(%arg9 : memref<!tpu.dma_semaphore, #tpu.memory_space<semaphore_mem>>) src(%dma_wait3A_156 : memref<1000x8x128xf32, #tpu.memory_space<hbm>>) dst(%arg6 : memref<16x8x128xf32, #tpu.memory_space<vmem>>)
      %dma_wait3A_157 = arith.constant 80 : i32
      %dma_wait3A_158 = tpu.memref_slice %arg5[%dma_wait3A_157] : memref<128xi32, #tpu.memory_space<vmem>> -> memref<16xi32, #tpu.memory_space<vmem>>
      %dma_wait3A_159 = arith.constant 0 : i32
      %dma_wait3A_160 = arith.constant 0 : i32
      %dma_wait3A_161 = arith.constant 0 : i32
      %dma_wait3A_162 = tpu.memref_slice %arg2[%dma_wait3A_159, %dma_wait3A_160, %dma_wait3A_161] : memref<1000x8x128xf32, #tpu.memory_space<hbm>> -> memref<1000x8x128xf32, #tpu.memory_space<hbm>>
      tpu.wait_indirect_dma semaphore(%arg10 : memref<!tpu.dma_semaphore, #tpu.memory_space<semaphore_mem>>) src(%dma_wait3A_162 : memref<1000x8x128xf32, #tpu.memory_space<hbm>>) dst(%arg7 : memref<16x8x128xf32, #tpu.memory_space<vmem>>)
      %dma_start3A_163 = arith.constant 96 : i32
      %dma_start3A_164 = tpu.memref_slice %arg5[%dma_start3A_163] : memref<128xi32, #tpu.memory_space<vmem>> -> memref<16xi32, #tpu.memory_space<vmem>>
      %dma_start3A_165 = arith.constant 0 : i32
      %dma_start3A_166 = arith.constant 0 : i32
      %dma_start3A_167 = arith.constant 0 : i32
      %dma_start3A_168 = tpu.memref_slice %arg2[%dma_start3A_165, %dma_start3A_166, %dma_start3A_167] : memref<1000x8x128xf32, #tpu.memory_space<hbm>> -> memref<1000x8x128xf32, #tpu.memory_space<hbm>>
      tpu.enqueue_indirect_dma source(%dma_start3A_168 : memref<1000x8x128xf32, #tpu.memory_space<hbm>>) target(%arg6 : memref<16x8x128xf32, #tpu.memory_space<vmem>>) offsets(%dma_start3A_164 : memref<16xi32, #tpu.memory_space<vmem>>) semaphore(%arg9 : memref<!tpu.dma_semaphore, #tpu.memory_space<semaphore_mem>>)
      %dma_start3A_169 = arith.constant 112 : i32
      %dma_start3A_170 = tpu.memref_slice %arg5[%dma_start3A_169] : memref<128xi32, #tpu.memory_space<vmem>> -> memref<16xi32, #tpu.memory_space<vmem>>
      %dma_start3A_171 = arith.constant 0 : i32
      %dma_start3A_172 = arith.constant 0 : i32
      %dma_start3A_173 = arith.constant 0 : i32
      %dma_start3A_174 = tpu.memref_slice %arg2[%dma_start3A_171, %dma_start3A_172, %dma_start3A_173] : memref<1000x8x128xf32, #tpu.memory_space<hbm>> -> memref<1000x8x128xf32, #tpu.memory_space<hbm>>
      tpu.enqueue_indirect_dma source(%dma_start3A_174 : memref<1000x8x128xf32, #tpu.memory_space<hbm>>) target(%arg7 : memref<16x8x128xf32, #tpu.memory_space<vmem>>) offsets(%dma_start3A_170 : memref<16xi32, #tpu.memory_space<vmem>>) semaphore(%arg10 : memref<!tpu.dma_semaphore, #tpu.memory_space<semaphore_mem>>)
      %dma_wait3A_175 = arith.constant 96 : i32
      %dma_wait3A_176 = tpu.memref_slice %arg5[%dma_wait3A_175] : memref<128xi32, #tpu.memory_space<vmem>> -> memref<16xi32, #tpu.memory_space<vmem>>
      %dma_wait3A_177 = arith.constant 0 : i32
      %dma_wait3A_178 = arith.constant 0 : i32
      %dma_wait3A_179 = arith.constant 0 : i32
      %dma_wait3A_180 = tpu.memref_slice %arg2[%dma_wait3A_177, %dma_wait3A_178, %dma_wait3A_179] : memref<1000x8x128xf32, #tpu.memory_space<hbm>> -> memref<1000x8x128xf32, #tpu.memory_space<hbm>>
      tpu.wait_indirect_dma semaphore(%arg9 : memref<!tpu.dma_semaphore, #tpu.memory_space<semaphore_mem>>) src(%dma_wait3A_180 : memref<1000x8x128xf32, #tpu.memory_space<hbm>>) dst(%arg6 : memref<16x8x128xf32, #tpu.memory_space<vmem>>)
      %dma_wait3A_181 = arith.constant 112 : i32
      %dma_wait3A_182 = tpu.memref_slice %arg5[%dma_wait3A_181] : memref<128xi32, #tpu.memory_space<vmem>> -> memref<16xi32, #tpu.memory_space<vmem>>
      %dma_wait3A_183 = arith.constant 0 : i32
      %dma_wait3A_184 = arith.constant 0 : i32
      %dma_wait3A_185 = arith.constant 0 : i32
      %dma_wait3A_186 = tpu.memref_slice %arg2[%dma_wait3A_183, %dma_wait3A_184, %dma_wait3A_185] : memref<1000x8x128xf32, #tpu.memory_space<hbm>> -> memref<1000x8x128xf32, #tpu.memory_space<hbm>>
      tpu.wait_indirect_dma semaphore(%arg10 : memref<!tpu.dma_semaphore, #tpu.memory_space<semaphore_mem>>) src(%dma_wait3A_186 : memref<1000x8x128xf32, #tpu.memory_space<hbm>>) dst(%arg7 : memref<16x8x128xf32, #tpu.memory_space<vmem>>)
      %mul3A_187 = arith.constant 64 : i32
      %mul3A_188 = arith.muli %select_n3A_82, %mul3A_187 : i32
      %mul3A_189 = arith.constant 128 : i32
      %mul3A_190 = arith.muli %select_n3A_66, %mul3A_189 : i32
      "tpu.region"() ({
        %run_scoped3A = tpu.sem_alloc : memref<!tpu.dma_semaphore, #tpu.memory_space<semaphore_mem>>
        %dma_start3A_191 = arith.constant 0 : i32
        %dma_start3A_192 = arith.constant 0 : i32
        %dma_start3A_193 = arith.constant 0 : i32
        %dma_start3A_194 = tpu.memref_slice %arg8[%dma_start3A_191, %dma_start3A_192, %dma_start3A_193] <%select_n3A_87> : memref<64x8x128xf32, #tpu.memory_space<vmem>> -> memref<?x8x128xf32, #tpu.memory_space<vmem>>
        %dma_start3A_195 = arith.constant 0 : i32
        %dma_start3A_196 = tpu.memref_slice %arg4[%select_n3A, %mul3A_188, %dma_start3A_195, %mul3A_190] <%select_n3A_87> : memref<50x125x8x1024xf32, #tpu.memory_space<hbm>> -> memref<1x?x8x128xf32, #tpu.memory_space<hbm>>
        %dma_start3A_197 = tpu.memref_squeeze %dma_start3A_196 : memref<1x?x8x128xf32, #tpu.memory_space<hbm>> -> memref<?x8x128xf32, #tpu.memory_space<hbm>>
        %dma_start3A_198 = arith.constant 0 : i32
        %dma_start3A_199 = tpu.memref_slice %arg4[%select_n3A, %mul3A_188, %dma_start3A_198, %mul3A_190] <%select_n3A_87> : memref<50x125x8x1024xf32, #tpu.memory_space<hbm>> -> memref<1x?x8x128xf32, #tpu.memory_space<hbm>>
        %dma_start3A_200 = tpu.memref_squeeze %dma_start3A_199 : memref<1x?x8x128xf32, #tpu.memory_space<hbm>> -> memref<?x8x128xf32, #tpu.memory_space<hbm>>
        %dma_start3A_201 = arith.constant 0 : i32
        %dma_start3A_202 = arith.constant 0 : i32
        %dma_start3A_203 = arith.constant 0 : i32
        %dma_start3A_204 = tpu.memref_slice %arg8[%dma_start3A_201, %dma_start3A_202, %dma_start3A_203] <%select_n3A_87> : memref<64x8x128xf32, #tpu.memory_space<vmem>> -> memref<?x8x128xf32, #tpu.memory_space<vmem>>
        tpu.enqueue_dma source(%dma_start3A_204 : memref<?x8x128xf32, #tpu.memory_space<vmem>>) target(%dma_start3A_200 : memref<?x8x128xf32, #tpu.memory_space<hbm>>) target_semaphore(%run_scoped3A : memref<!tpu.dma_semaphore, #tpu.memory_space<semaphore_mem>>)
        %dma_wait3A_205 = arith.constant 0 : i32
        %dma_wait3A_206 = arith.constant 0 : i32
        %dma_wait3A_207 = arith.constant 0 : i32
        %dma_wait3A_208 = tpu.memref_slice %arg8[%dma_wait3A_205, %dma_wait3A_206, %dma_wait3A_207] <%select_n3A_87> : memref<64x8x128xf32, #tpu.memory_space<vmem>> -> memref<?x8x128xf32, #tpu.memory_space<vmem>>
        %dma_wait3A_209 = arith.constant 0 : i32
        %dma_wait3A_210 = tpu.memref_slice %arg4[%select_n3A, %mul3A_188, %dma_wait3A_209, %mul3A_190] <%select_n3A_87> : memref<50x125x8x1024xf32, #tpu.memory_space<hbm>> -> memref<1x?x8x128xf32, #tpu.memory_space<hbm>>
        %dma_wait3A_211 = tpu.memref_squeeze %dma_wait3A_210 : memref<1x?x8x128xf32, #tpu.memory_space<hbm>> -> memref<?x8x128xf32, #tpu.memory_space<hbm>>
        %dma_wait3A_212 = arith.constant 0 : i32
        %dma_wait3A_213 = tpu.memref_slice %arg4[%select_n3A, %mul3A_188, %dma_wait3A_212, %mul3A_190] <%select_n3A_87> : memref<50x125x8x1024xf32, #tpu.memory_space<hbm>> -> memref<1x?x8x128xf32, #tpu.memory_space<hbm>>
        %dma_wait3A_214 = tpu.memref_squeeze %dma_wait3A_213 : memref<1x?x8x128xf32, #tpu.memory_space<hbm>> -> memref<?x8x128xf32, #tpu.memory_space<hbm>>
        %dma_wait3A_215 = arith.constant 0 : i32
        %dma_wait3A_216 = arith.constant 0 : i32
        %dma_wait3A_217 = arith.constant 0 : i32
        %dma_wait3A_218 = tpu.memref_slice %arg8[%dma_wait3A_215, %dma_wait3A_216, %dma_wait3A_217] <%select_n3A_87> : memref<64x8x128xf32, #tpu.memory_space<vmem>> -> memref<?x8x128xf32, #tpu.memory_space<vmem>>
        tpu.wait_dma2 semaphore(%run_scoped3A : memref<!tpu.dma_semaphore, #tpu.memory_space<semaphore_mem>>) src(%dma_wait3A_218 : memref<?x8x128xf32, #tpu.memory_space<vmem>>) dst(%dma_wait3A_214 : memref<?x8x128xf32, #tpu.memory_space<hbm>>)
        tpu.yield
      }) : () -> ()
    }
    %scan3A_4 = arith.constant 25 : i32
    return
  }
}

module attributes {stable_mosaic.version = 14 : i64} {
  func.func @_lse_body(%arg0: memref<1000x1000xf32, #tpu.memory_space<vmem>>, %arg1: memref<1000xf32, #tpu.memory_space<vmem>>) attributes {dimension_semantics = [], scalar_prefetch = 0 : i64, scratch_operands = 0 : i64, tpu.core_type = #tpu.core_type<tc>} {
    %get3A = arith.constant 0 : index
    %get3A_0 = arith.constant 0 : index
    %get3A_1 = vector.load %arg0[%get3A, %get3A_0] : memref<1000x1000xf32, #tpu.memory_space<vmem>>, vector<1000x1000xf32>
    %reduce_max3A = arith.constant dense<0xFF800000> : vector<1000xf32>
    %reduce_max3A_2 = vector.multi_reduction <maximumf>, %get3A_1, %reduce_max3A [1] : vector<1000x1000xf32> to vector<1000xf32>
    %broadcast_in_dim3A = vector.shape_cast %reduce_max3A_2 : vector<1000xf32> to vector<1000x1xf32>
    %sub3A = vector.broadcast %broadcast_in_dim3A : vector<1000x1xf32> to vector<1000x1000xf32>
    %sub3A_3 = arith.subf %get3A_1, %sub3A : vector<1000x1000xf32>
    %exp3A = math.exp %sub3A_3 : vector<1000x1000xf32>
    %reduce_sum3A = arith.constant dense<0.000000e+00> : vector<1000xf32>
    %reduce_sum3A_4 = vector.multi_reduction <add>, %exp3A, %reduce_sum3A [1] : vector<1000x1000xf32> to vector<1000xf32>
    %log3A = math.log %reduce_sum3A_4 : vector<1000xf32>
    %add3A = arith.addf %reduce_max3A_2, %log3A : vector<1000xf32>
    %swap3A = arith.constant 0 : index
    %swap3A_5 = vector.load %arg1[%swap3A] : memref<1000xf32, #tpu.memory_space<vmem>>, vector<1000xf32>
    tpu.vector_store %arg1[%swap3A], %add3A {strides = array<i32>} : memref<1000xf32, #tpu.memory_space<vmem>>, vector<1000xf32>,
    return
  }
}

</mosaic_0001>

<sc_bundles>
// kernel: kernel.5.cloned.1.call-start
scs
__scs_entry_jumppad:
0x0: {  	(pc) =	sbr.rel $0x88, $3  }
0x1: {  	(tag) =	ssettag $0x0;
	lr =	simm.s32 $0x1  }
0x2: {  	[smem:$0x3F9E] =	sst lr;
	_ =	strace $0xD0000000  }
0x3: {  	_ = 	snop  }
0x4: {  	_ = 	snop  }
0x5: {  	_ = 	snop  }
0x6: {  	_ = 	snop  }
0x7: {  	_ = 	snop  }
__scs_overlays_trampoline_lowered:
0x8: {  	[smem:$0x3FAD] =	sst s0  }
0x9: {  	[smem:$0x3FAE] =	sst s1  }
0xa: {  	[smem:$0x3FAF] =	sst s2  }
0xb: {  	[smem:$0x3FB0] =	sst s3  }
0xc: {  	[smem:$0x3FB1] =	sst s4  }
0xd: {  	[smem:$0x3FB2] =	sst s5  }
0xe: {  	[smem:$0x3FB3] =	sst s6  }
0xf: {  	[smem:$0x3FB4] =	sst s7  }
0x10: {  	[smem:$0x3FB5] =	sst s8  }
0x11: {  	[smem:$0x3FB6] =	sst s9;
	s0 =	simm.s32 @!p0 $0x0  }
0x12: {  	s1 =	sld [smem:$0x3F9C];
	s0 =	simm.s32 @p0 $0x1  }
0x13: {  	[smem:$0x3FB7] =	sst s0;
	s0 =	simm.s32 @!p1 $0x0  }
0x14: {  	s2 =	sld [smem:$0x3F9B];
	s0 =	simm.s32 @p1 $0x1  }
0x15: {  	[smem:$0x3FB8] =	sst s0;
	s0 =	simm.s32 @!p2 $0x0  }
0x16: {  	s3 =	sld [smem:$0x3FDB];
	s0 =	simm.s32 @p2 $0x1  }
0x17: {  	s4 =	simm.s32 $0x1BF5;
	[smem:$0x3FBA] =	sst s0  }
0x18: {  	s0 =	sld [smem:$0x3F9D];
	_ =	swait.ge [sflag:s4], $0x0  }
0x19: {  	s7 =	sld [smem:$0x3F9E]  }
0x1a: {  	s8 =	sadd.s32 $0xFFFFE003, lr  }
0x1b: {  	s9 =	sadd.s32 $0xFFFFFEF7, lr;
	s5 =	simm.s32 $0xFFFFFFFF;
	p2 =	slt.u32 s8, $0xFFFFF086  }
0x1c: {  	p1 =	slt.u32 s9, $0xF7A;
	s5 =	simm.s32 @!p2 $0x0  }
0x1d: {  	s5 =	simm.s32 @p1 $0x1;
	p0 =	seq.s32 s7, s2  }
0x1e: {  	s7 =	smul.u32 @!p0 $0xF7A, s2;
	p2 =	seq.s32 @!p0 s5, $0x0  }
0x1f: {  	s9 =	smul.u32 $0xF7A, s1;
	s8 =	simm.s32 @!p0 $0x1BF5;
	p2 =	por !p2, p0  }
0x20: {  	[sflag:s8] =	ssyncset.s32 @!p0 $0xFFFFF086;
	s6 =	sadd.s32 @!p0 s3, s7;
	s7 =	simm.s32 @!p0 $0x108  }
0x21: {  	s3 =	sadd.s32 s3, s9;
	s6 =	sadd.s32 @!p0 $0x88, s6;
	s7 =	simm.s32 @p2 $0x1082  }
0x22: {  	[simem:s7], [sflag:s8] =	dma.local @!p0 [hbm:s6], $0xF7A  }
0x23: {  	s9 =	sor.u32 $0xD0000000, s2;
	s6 =	simm.s32 $0x108;
	_ =	swait.ge @!p0 [sflag:s8], $0x0  }
0x24: {  	s3 =	sadd.s32 $0x88, s3;
	s6 =	simm.s32 @!p1 $0x1082;
	[sflag:s4] =	ssyncset.s32 $0xFFFFF086  }
0x25: {  	[simem:s6], [sflag:s4] =	dma.local [hbm:s3], $0xF7A  }
0x26: {  	[smem:$0x3F9E] =	sst s1;
	(tag) =	ssettag s2;
	_ =	strace s9  }
0x27: {  	s1 =	sld [smem:$0x3FAE]  }
0x28: {  	s2 =	sld [smem:$0x3FAF]  }
0x29: {  	s4 =	sld [smem:$0x3FB1]  }
0x2a: {  	p0 =	seq.s32 s5, $0x0;
	s5 =	sld [smem:$0x3FB2]  }
0x2b: {  	s6 =	sld [smem:$0x3FB3]  }
0x2c: {  	s7 =	sld [smem:$0x3FB4]  }
0x2d: {  	s3 =	simm.s32 $0x108;
	s8 =	sld [smem:$0x3FB5]  }
0x2e: {  	s3 =	simm.s32 @!p0 $0x1082;
	s9 =	sld [smem:$0x3FB6]  }
0x2f: {  	lr =	sadd.s32 s0, s3;
	s0 =	sld [smem:$0x3FAD]  }
0x30: {  	s3 =	sld [smem:$0x3FB0]  }
0x31: {  	[smem:$0x3FB9] =	sst s10  }
0x32: {  	s10 =	sld [smem:$0x3FB7];
	_ =	sdelay $0x3  }
0x33: {  	p0 =	seq.s32 s10, $0x1;
	s10 =	sld [smem:$0x3FB9];
	_ =	sdelay $0x3  }
0x34: {  	[smem:$0x3FB9] =	sst s10  }
0x35: {  	s10 =	sld [smem:$0x3FB8];
	_ =	sdelay $0x3  }
0x36: {  	p1 =	seq.s32 s10, $0x1;
	s10 =	sld [smem:$0x3FB9];
	_ =	sdelay $0x3  }
0x37: {  	[smem:$0x3FB9] =	sst s10  }
0x38: {  	s10 =	sld [smem:$0x3FBA]  }
0x39: {  	_ = 	snop;
	(pc) =	sbr.ind lr, $3  }
0x3a: {  	_ = 	snop  }
0x3b: {  	_ = 	snop  }
0x3c: {  	p2 =	seq.s32 s10, $0x1;
	s10 =	sld [smem:$0x3FB9]  }
0x3d: {  	_ =	shalt  }
0x3e: {  	_ =	shalt  }
0x3f: {  	_ =	shalt  }
0x40: {  	_ =	shalt  }
0x41: {  	_ =	shalt  }
0x42: {  	_ =	shalt  }
0x43: {  	_ =	shalt  }
0x44: {  	_ =	shalt  }
0x45: {  	_ =	shalt  }
0x46: {  	_ =	shalt  }
0x47: {  	_ =	shalt  }
0x48: {  	_ =	shalt  }
0x49: {  	_ =	shalt  }
0x4a: {  	_ =	shalt  }
0x4b: {  	_ =	shalt  }
0x4c: {  	_ =	shalt  }
0x4d: {  	_ =	shalt  }
0x4e: {  	_ =	shalt  }
0x4f: {  	_ =	shalt  }
0x50: {  	_ =	shalt  }
0x51: {  	_ =	shalt  }
0x52: {  	_ =	shalt  }
0x53: {  	_ =	shalt  }
0x54: {  	_ =	shalt  }
0x55: {  	_ =	shalt  }
0x56: {  	_ =	shalt  }
0x57: {  	_ =	shalt  }
0x58: {  	_ =	shalt  }
0x59: {  	_ =	shalt  }
0x5a: {  	_ =	shalt  }
0x5b: {  	_ =	shalt  }
0x5c: {  	_ =	shalt  }
0x5d: {  	_ =	shalt  }
0x5e: {  	_ =	shalt  }
0x5f: {  	_ =	shalt  }
0x60: {  	_ =	shalt  }
0x61: {  	_ =	shalt  }
0x62: {  	_ =	shalt  }
0x63: {  	_ =	shalt  }
0x64: {  	_ =	shalt  }
0x65: {  	_ =	shalt  }
0x66: {  	_ =	shalt  }
0x67: {  	_ =	shalt  }
0x68: {  	_ =	shalt  }
0x69: {  	_ =	shalt  }
0x6a: {  	_ =	shalt  }
0x6b: {  	_ =	shalt  }
0x6c: {  	_ =	shalt  }
0x6d: {  	_ =	shalt  }
0x6e: {  	_ =	shalt  }
0x6f: {  	_ =	shalt  }
0x70: {  	_ =	shalt  }
0x71: {  	_ =	shalt  }
0x72: {  	_ =	shalt  }
0x73: {  	_ =	shalt  }
0x74: {  	_ =	shalt  }
0x75: {  	_ =	shalt  }
0x76: {  	_ =	shalt  }
0x77: {  	_ =	shalt  }
0x78: {  	_ =	shalt  }
0x79: {  	_ =	shalt  }
0x7a: {  	_ =	shalt  }
0x7b: {  	_ =	shalt  }
0x7c: {  	_ =	shalt  }
0x7d: {  	_ =	shalt  }
0x7e: {  	_ =	shalt  }
0x7f: {  	_ =	shalt  }
0x80: {  	_ =	shalt  }
0x81: {  	_ =	shalt  }
0x82: {  	_ =	shalt  }
0x83: {  	_ =	shalt  }
0x84: {  	_ =	shalt  }
0x85: {  	_ =	shalt  }
0x86: {  	_ =	shalt  }
0x87: {  	_ =	shalt  }
.Lfunc_end0:
.L_simem_size_0:
called_computation_lowered:
.L_overlay_start_0:
0x88: {  	s2 =	sld [smem:$0x3FD9]  }
0x89: {  	s3 =	sld [smem:$0x3FFE];
	_ =	sdelay $0x1  }
0x8a: {  	s1 =	srdreg.scid  }
0x8b: {  	s0 =	sand.u32 $0x1, s1  }
0x8c: {  	s15 =	sshll.u32 s0, $0xA;
	s2 =	sadd.s32 s3, s2  }
0x8d: {  	s2 =	sadd.s32 s2, s15  }
0x8e: {  	[smem:$0x3FC5] =	sst s2  }
0x8f: {  	_ = 	snop  }
0x90: {  	s2 =	sld [smem:$0x3FD0];
	_ =	sdelay $0x2  }
0x91: {  	s16 =	simm.s32 $0xB;
	s4 =	simm.s32 $0x10  }
0x92: {  	[smem:s4], [sflag:s16] =	dma.local [hbm:s2], $0x1  }
0x93: {  	_ =	swait.eq [sflag:s16], $0x1  }
0x94: {  	[sflag:s16] =	ssyncset.done $0x0  }
0x95: {  	[sflag:s16] =	ssyncadd.s32 $0xFFFFFFFF  }
0x96: {  	s17 =	sld [smem:$0x10];
	(tm) =	ssettm $0x1  }
0x97: {  	s18 =	sld [smem:$0x3FFB];
	_ =	sdelay $0x3  }
0x98: {  	_ =	strace s18  }
0x99: {  	s2 =	sld [smem:$0x3FFC];
	_ =	sdelay $0x3  }
0x9a: {  	_ =	strace s2  }
0x9b: {  	s2 =	sld [smem:$0x3FFD];
	_ =	sdelay $0x3  }
0x9c: {  	_ =	strace s2  }
0x9d: {  	_ =	strace $0x8FFFFFFF  }
0x9e: {  	s19 =	sld [smem:$0x3FDB];
	_ =	sdelay $0x1  }
0x9f: {  	s20 =	simm.s32 $_scs_section_size  }
0xa0: {  	s5 =	simm.s32 $_size__tile_overlayer_lowered;
	s6 =	simm.s32 $_tile_overlayer_lowered  }
0xa1: {  	s7 =	simm.s32 $0x1BFF;
	s21 =	sshll.u32 s6, $0x1;
	s4 =	sadd.s32 s20, s19  }
0xa2: {  	s22 =	simm.s32 $0x0;
	s5 =	sshll.u32 s5, $0x1;
	s6 =	sadd.s32 s21, s4  }
0xa3: {  	[timem:s22], [sflag:s7] =	dma.local [hbm:s6], s5  }
0xa4: {  	_ =	swait.ge [sflag:s7], s5  }
0xa5: {  	s5 =	ssub.s32 $0x0, s5;
	[sflag:s7] =	ssyncset.done $0x0  }
0xa6: {  	[sflag:s7] =	ssyncadd.s32 s5;
	_ =	sdelay $0x1  }
0xa7: {  	s23 =	simm.s32 $0x1B8B  }
0xa8: {  	_ =	swait.ge [sflag:s23], $0x1  }
0xa9: {  	[sflag:s23] =	ssyncset.done $0x0  }
0xaa: {  	[sflag:s23] =	ssyncadd.s32 $0xFFFFFFFF  }
0xab: {  	s5 =	sld [smem:$0x0]  }
0xac: {  	s6 =	sand.u32 $0xFFFFFFFE, s1  }
0xad: {  	p0 =	sne.s32 s1, s6  }
0xae: {  	s6 =	sshll.u32 @p0 s6, $0xE  }
0xaf: {  	s6 =	sadd.s32 @p0 $0x11B8D, s6;
	s7 =	sshll.u32 @p0 s5, $0x11  }
0xb0: {  	s6 =	sor.u32 @p0 s7, s6  }
0xb1: {  	[sflag:s6] =	ssyncadd.remote.s32 @p0 $0x1;
	_ =	sdelay $0x1  }
0xb2: {  	s6 =	simm.s32 @p0 $0x1B8D  }
0xb3: {  	_ =	swait.eq @p0 [sflag:s6], $0x1  }
0xb4: {  	[sflag:s6] =	ssyncadd.s32 @p0 $0xFFFFFFFF  }
0xb5: {  	s7 =	sshll.u32 @!p0 s1, $0xE  }
0xb6: {  	s7 =	sor.u32 @!p0 $0x4000, s7;
	s6 =	simm.s32 @!p0 $0x1B8D  }
0xb7: {  	s5 =	sshll.u32 @!p0 s5, $0x11;
	s7 =	sadd.s32 @!p0 $0x11B8D, s7;
	_ =	swait.eq @!p0 [sflag:s6], $0x1  }
0xb8: {  	s5 =	sor.u32 @!p0 s5, s7;
	[sflag:s6] =	ssyncadd.s32 @!p0 $0xFFFFFFFF  }
0xb9: {  	s25 =	simm.s32 $0x1B8E;
	s24 =	sld [smem:$0x3FFE];
	[sflag:s5] =	ssyncadd.remote.s32 @!p0 $0x1  }
0xba: {  	s26 =	simm.s32 $execute0_lowered;
	[smem:$0x3FD2] =	sst s25  }
0xbb: {  	s6 =	sshll.u32 s26, $0x1;
	_ =	strace $0x80000049;
	[dreg:$0x1] =	wrdreg $0xFFFFFFFF  }
0xbc: {  	s28 =	simm.s32 $_size_execute0_lowered;
	s4 =	sadd.s32 s4, s6;
	[dreg:$0x0] =	wrdreg $0x0  }
0xbd: {  	s6 =	sshll.u32 s28, $0x1;
	[dreg:$0x2] =	wrdreg s4  }
0xbe: {  	[dreg:$0x3] =	wrdreg s6  }
0xbf: {  	[dreg:$0x4] =	wrdreg $0xC0  }
0xc0: {  	_ =	task [dreg:s22], $0x5FFFF  }
0xc1: {  	[dreg:$0x1] =	wrdreg $0xFFFFFFFF  }
0xc2: {  	[dreg:$0x0] =	wrdreg $0x60  }
0xc3: {  	[dreg:$0x2] =	wrdreg s24  }
0xc4: {  	[dreg:$0x3] =	wrdreg s17  }
0xc5: {  	[dreg:$0x4] =	wrdreg $0x9  }
0xc6: {  	_ =	task.clear_ibuf [dreg:s22], $0x5FFFF;
	_ =	strace $0x90000049  }
0xc7: {  	s29 =	simm.s32 $0x9;
	_ =	strace $0x8000004B  }
0xc8: {  	_ =	swait.ge [sflag:s29], $0x1  }
0xc9: {  	[sflag:s29] =	ssyncadd.s32 $0xFFFFFFFF  }
0xca: {  	_ =	strace $0x9000004B  }
0xcb: {  	_ =	sfence  }
0xcc: {  	s30 =	sld [smem:$0x0];
	_ =	sdelay $0x2  }
0xcd: {  	s31 =	sshll.u32 s1, $0xD;
	s1 =	sshrl.u32 s1, $0x2  }
0xce: {  	s4 =	sand.u32 $0x4000, s31;
	s1 =	sadd.s32 s1, s30  }
0xcf: {  	s0 =	sor.u32 s4, s0;
	s1 =	sshll.u32 s1, $0x11  }
0xd0: {  	s0 =	sor.u32 s1, s0  }
0xd1: {  	s0 =	sadd.s32 $0x8F2B, s0  }
0xd2: {  	[sflag:s0] =	ssyncadd.remote.s32 $0x1  }
0xd3: {  	_ =	sfence.sel $0xFFFF  }
0xd4: {  	[dreg:$0x0] =	wrdreg $0xFFFFFFFF;
	(pc) =	sbr.abs _section_cstart, $3  }
0xd5: {  	[dreg:$0x1] =	wrdreg $0xFFFFFFFF  }
0xd6: {  	_ =	task.clear_ibuf [dreg:s22], $0x2FFFF;
	_ =	strace $0x9FFFFFFF  }
0xd7: {  	(tm) =	ssettm $0x7FFFFFFF  }
tec
execute0_lowered:
.L_overlay_start_1:
0x0: {  	(tag) =	ssettag $0x1  }
0x1: {  	s4 =	rddreg [dreg:$0x0]  }
0x2: {  	s7 =	rddreg [dreg:$0x1]  }
0x3: {  	s0 =	rddreg [dreg:$0x2];
	s2 =	simm.s32 $0x0  }
0x4: {  	s1 =	stileid.u32;
	s6 =	srdreg.scid;
	s12 =	simm.s32 $0x4080  }
0x5: {  	s13 =	simm.s32 $0x1;
	s14 =	simm.s32 $0x2;
	s15 =	simm.s32 $0x20  }
0x6: {  	s16 =	simm.s32 $0x30;
	s17 =	simm.s32 $0x40;
	s18 =	simm.s32 $0x50  }
0x7: {  	s19 =	simm.s32 $0x60;
	s20 =	simm.s32 $0x70;
	s21 =	simm.s32 $0x400  }
0x8: {  	s22 =	simm.s32 $0x2000;
	s23 =	simm.s32 $0x8080;
	s24 =	simm.s32 $0x0  }
0x9: {  	[smem:$0x7FF] =	sst s2;
	s3 =	sshll.u32 s1, $0x7;
	s5 =	sshrl.u32 s1, $0x3  }
0xa: {  	s6 =	sand.u32 $0x1, s6;
	_ =	strace $0x8000004A;
	s8 =	sand.u32 $0x380, s3  }
0xb: {  	s9 =	sshll.u32 s5, $0xA;
	s3 =	sadd.s32 $0x24800, s4;
	s10 =	ssub.s32 $0x2, s6  }
0xc: {  	s5 =	smul.u32 $0xFA000, s5;
	s30 =	sshll.u32 s6, $0x13;
	s9 =	sor.u32 s8, s9  }
0xd: {  	p0 =	seq.s32 s6, $0x0;
	s11 =	sshrl.u32 s10, $0x1;
	s9 =	sshrl.u32 s9, $0x3  }
0xe: {  	s10 =	ssub.s32 s10, s11;
	s31 =	sadd.s32 s30, s5;
	s5 =	simm.s32 $0x10000  }
0xf: {  	s9 =	sadd.s32 s9, s4;
	s4 =	simm.s32 $0xFFFF0000;
	s11 =	sshrl.u32 s31, $0x3  }
0x10: {  	s5 =	simm.s32 @!p0 $0xF400;
	s6 =	smax.u32 s10, $0x1;
	s10 =	simm.s32 $0x10  }
0x11: {  	s4 =	simm.s32 @!p0 $0xFFFF0C00;
	s7 =	sadd.s32 s11, s7;
	s11 =	simm.s32 $0x80  }
0x12: {  	s7 =	sadd.s32 s8, s7;
	s8 =	sadd.s32 $0x22E00, s9;
	s9 =	simm.s32 $0x3  }
.LBB2_1:
0x13: {  	s25 =	sadd.s32 $0x0, s8  }
0x14: {  	[tilespmem:s2], [sflag:$0x3] =	stream.linear.gather [hbm4b:s25+s2], $0x80, $0x38;
	[tilespmem:$0x18080] =	vst v63  }
0x15: {  	_ =	swait.ge [sflag:s9], $0x80  }
0x16: {  	[sflag:s9] =	ssyncset.done $0x0  }
0x17: {  	[sflag:s9] =	ssyncadd.s32 $0xFFFFFF80  }
0x18: {  	[tilespmem:s11], [sflag:$0x1] =	stream.indirect.gather [hbm4b:s3+s10], $0x400, s2, s10, $0xb8;
	[tilespmem:$0x18080] =	vst v63  }
0x19: {  	_ = 	snop  }
0x1a: {  	[tilespmem:s12], [sflag:$0x2] =	stream.indirect.gather [hbm4b:s3+s10], $0x400, s10, s10, $0xb8;
	[tilespmem:$0x18080] =	vst v63  }
0x1b: {  	_ =	swait.ge [sflag:s13], $0x4000  }
0x1c: {  	[sflag:s13] =	ssyncset.done $0x0  }
0x1d: {  	[sflag:s13] =	ssyncadd.s32 $0xFFFFC000  }
0x1e: {  	_ =	swait.ge [sflag:s14], $0x4000  }
0x1f: {  	[sflag:s14] =	ssyncset.done $0x0  }
0x20: {  	[sflag:s14] =	ssyncadd.s32 $0xFFFFC000  }
0x21: {  	[tilespmem:s11], [sflag:$0x1] =	stream.indirect.gather [hbm4b:s3+s10], $0x400, s15, s10, $0xb8;
	[tilespmem:$0x18080] =	vst v63  }
0x22: {  	_ = 	snop  }
0x23: {  	[tilespmem:s12], [sflag:$0x2] =	stream.indirect.gather [hbm4b:s3+s10], $0x400, s16, s10, $0xb8;
	[tilespmem:$0x18080] =	vst v63  }
0x24: {  	_ =	swait.ge [sflag:s13], $0x4000  }
0x25: {  	[sflag:s13] =	ssyncset.done $0x0  }
0x26: {  	[sflag:s13] =	ssyncadd.s32 $0xFFFFC000  }
0x27: {  	_ =	swait.ge [sflag:s14], $0x4000  }
0x28: {  	[sflag:s14] =	ssyncset.done $0x0  }
0x29: {  	[sflag:s14] =	ssyncadd.s32 $0xFFFFC000  }
0x2a: {  	[tilespmem:s11], [sflag:$0x1] =	stream.indirect.gather [hbm4b:s3+s10], $0x400, s17, s10, $0xb8;
	[tilespmem:$0x18080] =	vst v63  }
0x2b: {  	_ = 	snop  }
0x2c: {  	[tilespmem:s12], [sflag:$0x2] =	stream.indirect.gather [hbm4b:s3+s10], $0x400, s18, s10, $0xb8;
	[tilespmem:$0x18080] =	vst v63  }
0x2d: {  	_ =	swait.ge [sflag:s13], $0x4000  }
0x2e: {  	[sflag:s13] =	ssyncset.done $0x0  }
0x2f: {  	[sflag:s13] =	ssyncadd.s32 $0xFFFFC000  }
0x30: {  	_ =	swait.ge [sflag:s14], $0x4000  }
0x31: {  	[sflag:s14] =	ssyncset.done $0x0  }
0x32: {  	[sflag:s14] =	ssyncadd.s32 $0xFFFFC000  }
0x33: {  	[tilespmem:s11], [sflag:$0x1] =	stream.indirect.gather [hbm4b:s3+s10], $0x400, s19, s10, $0xb8;
	[tilespmem:$0x18080] =	vst v63  }
0x34: {  	_ = 	snop  }
0x35: {  	[tilespmem:s12], [sflag:$0x2] =	stream.indirect.gather [hbm4b:s3+s10], $0x400, s20, s10, $0xb8;
	[tilespmem:$0x18080] =	vst v63  }
0x36: {  	_ =	swait.ge [sflag:s13], $0x4000  }
0x37: {  	[sflag:s13] =	ssyncset.done $0x0  }
0x38: {  	[sflag:s13] =	ssyncadd.s32 $0xFFFFC000  }
0x39: {  	_ =	swait.ge [sflag:s14], $0x4000  }
0x3a: {  	[sflag:s14] =	ssyncset.done $0x0  }
0x3b: {  	[sflag:s14] =	ssyncadd.s32 $0xFFFFC000  }
0x3c: {  	[hbm4b:s7+s21] =	stream.strided.scatter [tilespmem:s23], [sflag:$0x3], s5, s22, s21, $0x38;
	[tilespmem:$0x18080] =	vst v63  }
0x3d: {  	s26 =	simm.s32 $0x100;
	_ =	swait.ge [sflag:s9], s5  }
0x3e: {  	s29 =	simm.s32 $0x200;
	s25 =	sadd.s32 $0x3E800, s7;
	[sflag:s9] =	ssyncset.done $0x0  }
.LBB2_2:
0x3f: {  	s30 =	sadd.s32 s26, s8  }
0x40: {  	[sflag:s9] =	ssyncadd.s32 s4;
	s26 =	smov.u32 s29;
	s28 =	sadd.s32 $0x100, s29  }
0x41: {  	[tilespmem:s2], [sflag:$0x3] =	stream.linear.gather [hbm4b:s30+s2], $0x80, $0x38;
	[tilespmem:$0x18080] =	vst v63  }
0x42: {  	p0 =	sne.s32 s29, $0x1800;
	_ =	swait.ge [sflag:s9], $0x80  }
0x43: {  	[sflag:s9] =	ssyncset.done $0x0  }
0x44: {  	[sflag:s9] =	ssyncadd.s32 $0xFFFFFF80  }
0x45: {  	[tilespmem:s11], [sflag:$0x1] =	stream.indirect.gather [hbm4b:s3+s10], $0x400, s2, s10, $0xb8;
	[tilespmem:$0x18080] =	vst v63  }
0x46: {  	_ = 	snop  }
0x47: {  	[tilespmem:s12], [sflag:$0x2] =	stream.indirect.gather [hbm4b:s3+s10], $0x400, s10, s10, $0xb8;
	[tilespmem:$0x18080] =	vst v63  }
0x48: {  	_ =	swait.ge [sflag:s13], $0x4000  }
0x49: {  	[sflag:s13] =	ssyncset.done $0x0  }
0x4a: {  	[sflag:s13] =	ssyncadd.s32 $0xFFFFC000  }
0x4b: {  	_ =	swait.ge [sflag:s14], $0x4000  }
0x4c: {  	[sflag:s14] =	ssyncset.done $0x0  }
0x4d: {  	[sflag:s14] =	ssyncadd.s32 $0xFFFFC000  }
0x4e: {  	[tilespmem:s11], [sflag:$0x1] =	stream.indirect.gather [hbm4b:s3+s10], $0x400, s15, s10, $0xb8;
	[tilespmem:$0x18080] =	vst v63  }
0x4f: {  	_ = 	snop  }
0x50: {  	[tilespmem:s12], [sflag:$0x2] =	stream.indirect.gather [hbm4b:s3+s10], $0x400, s16, s10, $0xb8;
	[tilespmem:$0x18080] =	vst v63  }
0x51: {  	_ =	swait.ge [sflag:s13], $0x4000  }
0x52: {  	[sflag:s13] =	ssyncset.done $0x0  }
0x53: {  	[sflag:s13] =	ssyncadd.s32 $0xFFFFC000  }
0x54: {  	_ =	swait.ge [sflag:s14], $0x4000  }
0x55: {  	[sflag:s14] =	ssyncset.done $0x0  }
0x56: {  	[sflag:s14] =	ssyncadd.s32 $0xFFFFC000  }
0x57: {  	[tilespmem:s11], [sflag:$0x1] =	stream.indirect.gather [hbm4b:s3+s10], $0x400, s17, s10, $0xb8;
	[tilespmem:$0x18080] =	vst v63  }
0x58: {  	_ = 	snop  }
0x59: {  	[tilespmem:s12], [sflag:$0x2] =	stream.indirect.gather [hbm4b:s3+s10], $0x400, s18, s10, $0xb8;
	[tilespmem:$0x18080] =	vst v63  }
0x5a: {  	_ =	swait.ge [sflag:s13], $0x4000  }
0x5b: {  	[sflag:s13] =	ssyncset.done $0x0  }
0x5c: {  	[sflag:s13] =	ssyncadd.s32 $0xFFFFC000  }
0x5d: {  	_ =	swait.ge [sflag:s14], $0x4000  }
0x5e: {  	[sflag:s14] =	ssyncset.done $0x0  }
0x5f: {  	[sflag:s14] =	ssyncadd.s32 $0xFFFFC000  }
0x60: {  	[tilespmem:s11], [sflag:$0x1] =	stream.indirect.gather [hbm4b:s3+s10], $0x400, s19, s10, $0xb8;
	[tilespmem:$0x18080] =	vst v63  }
0x61: {  	_ = 	snop  }
0x62: {  	[tilespmem:s12], [sflag:$0x2] =	stream.indirect.gather [hbm4b:s3+s10], $0x400, s20, s10, $0xb8;
	[tilespmem:$0x18080] =	vst v63  }
0x63: {  	_ =	swait.ge [sflag:s13], $0x4000  }
0x64: {  	[sflag:s13] =	ssyncset.done $0x0  }
0x65: {  	[sflag:s13] =	ssyncadd.s32 $0xFFFFC000  }
0x66: {  	_ =	swait.ge [sflag:s14], $0x4000  }
.Ltmp0:
0x67: {  	[sflag:s14] =	ssyncset.done $0x0;
	(pc) =	sbr.rel @p0 .LBB2_2-.Ltmp0, $4  }
0x68: {  	[sflag:s14] =	ssyncadd.s32 $0xFFFFC000  }
0x69: {  	[hbm4b:s25+s21] =	stream.strided.scatter [tilespmem:s23], [sflag:$0x3], s5, s22, s21, $0x38;
	[tilespmem:$0x18080] =	vst v63  }
0x6a: {  	_ =	swait.ge [sflag:s9], s5  }
0x6b: {  	s29 =	smov.u32 s28;
	s25 =	sadd.s32 $0x3E800, s25;
	[sflag:s9] =	ssyncset.done $0x0  }
0x6c: {  	s26 =	sadd.s32 s26, s8;
	[sflag:s9] =	ssyncadd.s32 s4  }
0x6d: {  	[tilespmem:s2], [sflag:$0x3] =	stream.linear.gather [hbm4b:s26+s2], $0x80, $0x38;
	[tilespmem:$0x18080] =	vst v63  }
0x6e: {  	_ =	swait.ge [sflag:s9], $0x80  }
0x6f: {  	[sflag:s9] =	ssyncset.done $0x0  }
0x70: {  	[sflag:s9] =	ssyncadd.s32 $0xFFFFFF80  }
0x71: {  	[tilespmem:s11], [sflag:$0x1] =	stream.indirect.gather [hbm4b:s3+s10], $0x400, s2, s10, $0xb8;
	[tilespmem:$0x18080] =	vst v63  }
0x72: {  	_ = 	snop  }
0x73: {  	[tilespmem:s12], [sflag:$0x2] =	stream.indirect.gather [hbm4b:s3+s10], $0x400, s10, s10, $0xb8;
	[tilespmem:$0x18080] =	vst v63  }
0x74: {  	_ =	swait.ge [sflag:s13], $0x4000  }
0x75: {  	[sflag:s13] =	ssyncset.done $0x0  }
0x76: {  	[sflag:s13] =	ssyncadd.s32 $0xFFFFC000  }
0x77: {  	_ =	swait.ge [sflag:s14], $0x4000  }
0x78: {  	[sflag:s14] =	ssyncset.done $0x0  }
0x79: {  	[sflag:s14] =	ssyncadd.s32 $0xFFFFC000  }
0x7a: {  	[tilespmem:s11], [sflag:$0x1] =	stream.indirect.gather [hbm4b:s3+s10], $0x400, s15, s10, $0xb8;
	[tilespmem:$0x18080] =	vst v63  }
0x7b: {  	_ = 	snop  }
0x7c: {  	[tilespmem:s12], [sflag:$0x2] =	stream.indirect.gather [hbm4b:s3+s10], $0x400, s16, s10, $0xb8;
	[tilespmem:$0x18080] =	vst v63  }
0x7d: {  	_ =	swait.ge [sflag:s13], $0x4000  }
0x7e: {  	[sflag:s13] =	ssyncset.done $0x0  }
0x7f: {  	[sflag:s13] =	ssyncadd.s32 $0xFFFFC000  }
0x80: {  	_ =	swait.ge [sflag:s14], $0x4000  }
0x81: {  	[sflag:s14] =	ssyncset.done $0x0  }
0x82: {  	[sflag:s14] =	ssyncadd.s32 $0xFFFFC000  }
0x83: {  	[tilespmem:s11], [sflag:$0x1] =	stream.indirect.gather [hbm4b:s3+s10], $0x400, s17, s10, $0xb8;
	[tilespmem:$0x18080] =	vst v63  }
0x84: {  	_ = 	snop  }
0x85: {  	[tilespmem:s12], [sflag:$0x2] =	stream.indirect.gather [hbm4b:s3+s10], $0x400, s18, s10, $0xb8;
	[tilespmem:$0x18080] =	vst v63  }
0x86: {  	_ =	swait.ge [sflag:s13], $0x4000  }
0x87: {  	[sflag:s13] =	ssyncset.done $0x0  }
0x88: {  	[sflag:s13] =	ssyncadd.s32 $0xFFFFC000  }
0x89: {  	_ =	swait.ge [sflag:s14], $0x4000  }
0x8a: {  	[sflag:s14] =	ssyncset.done $0x0  }
0x8b: {  	[sflag:s14] =	ssyncadd.s32 $0xFFFFC000  }
0x8c: {  	[tilespmem:s11], [sflag:$0x1] =	stream.indirect.gather [hbm4b:s3+s10], $0x400, s19, s10, $0xb8;
	[tilespmem:$0x18080] =	vst v63  }
0x8d: {  	_ = 	snop  }
0x8e: {  	[tilespmem:s12], [sflag:$0x2] =	stream.indirect.gather [hbm4b:s3+s10], $0x400, s20, s10, $0xb8;
	[tilespmem:$0x18080] =	vst v63  }
0x8f: {  	_ =	swait.ge [sflag:s13], $0x4000  }
0x90: {  	[sflag:s13] =	ssyncset.done $0x0  }
0x91: {  	[sflag:s13] =	ssyncadd.s32 $0xFFFFC000  }
0x92: {  	s24 =	sadd.s32 $0x1, s24;
	_ =	swait.ge [sflag:s14], $0x4000  }
0x93: {  	p0 =	sne.s32 s24, s6;
	[sflag:s14] =	ssyncset.done $0x0  }
.Ltmp1:
0x94: {  	[sflag:s14] =	ssyncadd.s32 $0xFFFFC000;
	(pc) =	sbr.rel @p0 .LBB2_1-.Ltmp1, $4  }
0x95: {  	[hbm4b:s25+s21] =	stream.strided.scatter [tilespmem:s23], [sflag:$0x3], s5, s22, s21, $0x38;
	[tilespmem:$0x18080] =	vst v63  }
0x96: {  	_ =	swait.ge [sflag:s9], s5  }
0x97: {  	[sflag:s9] =	ssyncset.done $0x0  }
0x98: {  	[sflag:s9] =	ssyncadd.s32 s4  }
0x99: {  	_ =	sfence.sel $0x180000  }
0x9a: {  	[bflag:$0x0] =	sbarrier.arrive $0xFFFF  }
0x9b: {  	p0 =	sne.s32 s1, $0x0;
	_ =	strace $0x9000004A  }
0x9c: {  	s0 =	sadd.s32 @!p0 $0x100000, s0;
	[bflag:$0x2] =	sbarrier.arrive $0xFFFF  }
0x9d: {  	[sflag:s0] =	ssyncadd.tile.s32 @!p0 $0x1;
	_ =	shalt  }
.Lfunc_end2:
_tile_overlayer_lowered:
.L_overlay_start_2:
0x9e: {  	(tag) =	ssettag $0x2  }
0x9f: {  	s0 =	rddreg [dreg:$0x0];
	s2 =	stileid.u32  }
0xa0: {  	s1 =	rddreg [dreg:$0x1];
	p0 =	sne.s32 s2, $0x0  }
0xa1: {  	s3 =	rddreg [dreg:$0x2];
	[bflag:$0x3] =	sbarrier.arrive $0xFFFF;
	s2 =	simm.s32 @!p0 $0x1C03  }
0xa2: {  	[timem:s3], [sflag:s2] =	dma.local @!p0 [hbm:s0], s1  }
0xa3: {  	s0 =	simm.s32 @!p0 $0x3  }
0xa4: {  	_ =	swait.ge @!p0 [sflag:s0], s1  }
0xa5: {  	s1 =	ssub.s32 @!p0 $0x0, s1;
	[sflag:s0] =	ssyncset.done @!p0 $0x0  }
0xa6: {  	[sflag:s0] =	ssyncadd.s32 @!p0 s1  }
0xa7: {  	[bflag:$0x3] =	sbarrier.arrive $0xFFFF  }
0xa8: {  	_ =	shalt  }

// kernel: kernel.8.cloned.1.call-start
scs
__scs_entry_jumppad:
0x0: {  	(pc) =	sbr.rel $0x88, $3  }
0x1: {  	(tag) =	ssettag $0x0;
	lr =	simm.s32 $0x1  }
0x2: {  	[smem:$0x3F9E] =	sst lr;
	_ =	strace $0xD0000000  }
0x3: {  	_ = 	snop  }
0x4: {  	_ = 	snop  }
0x5: {  	_ = 	snop  }
0x6: {  	_ = 	snop  }
0x7: {  	_ = 	snop  }
__scs_overlays_trampoline_lowered:
0x8: {  	[smem:$0x3FAD] =	sst s0  }
0x9: {  	[smem:$0x3FAE] =	sst s1  }
0xa: {  	[smem:$0x3FAF] =	sst s2  }
0xb: {  	[smem:$0x3FB0] =	sst s3  }
0xc: {  	[smem:$0x3FB1] =	sst s4  }
0xd: {  	[smem:$0x3FB2] =	sst s5  }
0xe: {  	[smem:$0x3FB3] =	sst s6  }
0xf: {  	[smem:$0x3FB4] =	sst s7  }
0x10: {  	[smem:$0x3FB5] =	sst s8  }
0x11: {  	[smem:$0x3FB6] =	sst s9;
	s0 =	simm.s32 @!p0 $0x0  }
0x12: {  	s1 =	sld [smem:$0x3F9C];
	s0 =	simm.s32 @p0 $0x1  }
0x13: {  	[smem:$0x3FB7] =	sst s0;
	s0 =	simm.s32 @!p1 $0x0  }
0x14: {  	s2 =	sld [smem:$0x3F9B];
	s0 =	simm.s32 @p1 $0x1  }
0x15: {  	[smem:$0x3FB8] =	sst s0;
	s0 =	simm.s32 @!p2 $0x0  }
0x16: {  	s3 =	sld [smem:$0x3FDB];
	s0 =	simm.s32 @p2 $0x1  }
0x17: {  	s4 =	simm.s32 $0x1BF5;
	[smem:$0x3FBA] =	sst s0  }
0x18: {  	s0 =	sld [smem:$0x3F9D];
	_ =	swait.ge [sflag:s4], $0x0  }
0x19: {  	s7 =	sld [smem:$0x3F9E]  }
0x1a: {  	s8 =	sadd.s32 $0xFFFFE003, lr  }
0x1b: {  	s9 =	sadd.s32 $0xFFFFFEF7, lr;
	s5 =	simm.s32 $0xFFFFFFFF;
	p2 =	slt.u32 s8, $0xFFFFF086  }
0x1c: {  	p1 =	slt.u32 s9, $0xF7A;
	s5 =	simm.s32 @!p2 $0x0  }
0x1d: {  	s5 =	simm.s32 @p1 $0x1;
	p0 =	seq.s32 s7, s2  }
0x1e: {  	s7 =	smul.u32 @!p0 $0xF7A, s2;
	p2 =	seq.s32 @!p0 s5, $0x0  }
0x1f: {  	s9 =	smul.u32 $0xF7A, s1;
	s8 =	simm.s32 @!p0 $0x1BF5;
	p2 =	por !p2, p0  }
0x20: {  	[sflag:s8] =	ssyncset.s32 @!p0 $0xFFFFF086;
	s6 =	sadd.s32 @!p0 s3, s7;
	s7 =	simm.s32 @!p0 $0x108  }
0x21: {  	s3 =	sadd.s32 s3, s9;
	s6 =	sadd.s32 @!p0 $0x88, s6;
	s7 =	simm.s32 @p2 $0x1082  }
0x22: {  	[simem:s7], [sflag:s8] =	dma.local @!p0 [hbm:s6], $0xF7A  }
0x23: {  	s9 =	sor.u32 $0xD0000000, s2;
	s6 =	simm.s32 $0x108;
	_ =	swait.ge @!p0 [sflag:s8], $0x0  }
0x24: {  	s3 =	sadd.s32 $0x88, s3;
	s6 =	simm.s32 @!p1 $0x1082;
	[sflag:s4] =	ssyncset.s32 $0xFFFFF086  }
0x25: {  	[simem:s6], [sflag:s4] =	dma.local [hbm:s3], $0xF7A  }
0x26: {  	[smem:$0x3F9E] =	sst s1;
	(tag) =	ssettag s2;
	_ =	strace s9  }
0x27: {  	s1 =	sld [smem:$0x3FAE]  }
0x28: {  	s2 =	sld [smem:$0x3FAF]  }
0x29: {  	s4 =	sld [smem:$0x3FB1]  }
0x2a: {  	p0 =	seq.s32 s5, $0x0;
	s5 =	sld [smem:$0x3FB2]  }
0x2b: {  	s6 =	sld [smem:$0x3FB3]  }
0x2c: {  	s7 =	sld [smem:$0x3FB4]  }
0x2d: {  	s3 =	simm.s32 $0x108;
	s8 =	sld [smem:$0x3FB5]  }
0x2e: {  	s3 =	simm.s32 @!p0 $0x1082;
	s9 =	sld [smem:$0x3FB6]  }
0x2f: {  	lr =	sadd.s32 s0, s3;
	s0 =	sld [smem:$0x3FAD]  }
0x30: {  	s3 =	sld [smem:$0x3FB0]  }
0x31: {  	[smem:$0x3FB9] =	sst s10  }
0x32: {  	s10 =	sld [smem:$0x3FB7];
	_ =	sdelay $0x3  }
0x33: {  	p0 =	seq.s32 s10, $0x1;
	s10 =	sld [smem:$0x3FB9];
	_ =	sdelay $0x3  }
0x34: {  	[smem:$0x3FB9] =	sst s10  }
0x35: {  	s10 =	sld [smem:$0x3FB8];
	_ =	sdelay $0x3  }
0x36: {  	p1 =	seq.s32 s10, $0x1;
	s10 =	sld [smem:$0x3FB9];
	_ =	sdelay $0x3  }
0x37: {  	[smem:$0x3FB9] =	sst s10  }
0x38: {  	s10 =	sld [smem:$0x3FBA]  }
0x39: {  	_ = 	snop;
	(pc) =	sbr.ind lr, $3  }
0x3a: {  	_ = 	snop  }
0x3b: {  	_ = 	snop  }
0x3c: {  	p2 =	seq.s32 s10, $0x1;
	s10 =	sld [smem:$0x3FB9]  }
0x3d: {  	_ =	shalt  }
0x3e: {  	_ =	shalt  }
0x3f: {  	_ =	shalt  }
0x40: {  	_ =	shalt  }
0x41: {  	_ =	shalt  }
0x42: {  	_ =	shalt  }
0x43: {  	_ =	shalt  }
0x44: {  	_ =	shalt  }
0x45: {  	_ =	shalt  }
0x46: {  	_ =	shalt  }
0x47: {  	_ =	shalt  }
0x48: {  	_ =	shalt  }
0x49: {  	_ =	shalt  }
0x4a: {  	_ =	shalt  }
0x4b: {  	_ =	shalt  }
0x4c: {  	_ =	shalt  }
0x4d: {  	_ =	shalt  }
0x4e: {  	_ =	shalt  }
0x4f: {  	_ =	shalt  }
0x50: {  	_ =	shalt  }
0x51: {  	_ =	shalt  }
0x52: {  	_ =	shalt  }
0x53: {  	_ =	shalt  }
0x54: {  	_ =	shalt  }
0x55: {  	_ =	shalt  }
0x56: {  	_ =	shalt  }
0x57: {  	_ =	shalt  }
0x58: {  	_ =	shalt  }
0x59: {  	_ =	shalt  }
0x5a: {  	_ =	shalt  }
0x5b: {  	_ =	shalt  }
0x5c: {  	_ =	shalt  }
0x5d: {  	_ =	shalt  }
0x5e: {  	_ =	shalt  }
0x5f: {  	_ =	shalt  }
0x60: {  	_ =	shalt  }
0x61: {  	_ =	shalt  }
0x62: {  	_ =	shalt  }
0x63: {  	_ =	shalt  }
0x64: {  	_ =	shalt  }
0x65: {  	_ =	shalt  }
0x66: {  	_ =	shalt  }
0x67: {  	_ =	shalt  }
0x68: {  	_ =	shalt  }
0x69: {  	_ =	shalt  }
0x6a: {  	_ =	shalt  }
0x6b: {  	_ =	shalt  }
0x6c: {  	_ =	shalt  }
0x6d: {  	_ =	shalt  }
0x6e: {  	_ =	shalt  }
0x6f: {  	_ =	shalt  }
0x70: {  	_ =	shalt  }
0x71: {  	_ =	shalt  }
0x72: {  	_ =	shalt  }
0x73: {  	_ =	shalt  }
0x74: {  	_ =	shalt  }
0x75: {  	_ =	shalt  }
0x76: {  	_ =	shalt  }
0x77: {  	_ =	shalt  }
0x78: {  	_ =	shalt  }
0x79: {  	_ =	shalt  }
0x7a: {  	_ =	shalt  }
0x7b: {  	_ =	shalt  }
0x7c: {  	_ =	shalt  }
0x7d: {  	_ =	shalt  }
0x7e: {  	_ =	shalt  }
0x7f: {  	_ =	shalt  }
0x80: {  	_ =	shalt  }
0x81: {  	_ =	shalt  }
0x82: {  	_ =	shalt  }
0x83: {  	_ =	shalt  }
0x84: {  	_ =	shalt  }
0x85: {  	_ =	shalt  }
0x86: {  	_ =	shalt  }
0x87: {  	_ =	shalt  }
.Lfunc_end0:
.L_simem_size_0:
called_computation.1_lowered:
.L_overlay_start_0:
0x88: {  	s2 =	sld [smem:$0x3FD9]  }
0x89: {  	s3 =	sld [smem:$0x3FFE];
	_ =	sdelay $0x1  }
0x8a: {  	s1 =	srdreg.scid  }
0x8b: {  	s0 =	sand.u32 $0x1, s1  }
0x8c: {  	s16 =	sshll.u32 s0, $0xA;
	s2 =	sadd.s32 s3, s2  }
0x8d: {  	s2 =	sadd.s32 s2, s16  }
0x8e: {  	[smem:$0x3FC5] =	sst s2  }
0x8f: {  	_ = 	snop  }
0x90: {  	(tm) =	ssettm $0x1  }
0x91: {  	s17 =	sld [smem:$0x3FFB];
	_ =	sdelay $0x3  }
0x92: {  	_ =	strace s17  }
0x93: {  	s2 =	sld [smem:$0x3FFC];
	_ =	sdelay $0x3  }
0x94: {  	_ =	strace s2  }
0x95: {  	s2 =	sld [smem:$0x3FFD];
	_ =	sdelay $0x3  }
0x96: {  	_ =	strace s2  }
0x97: {  	_ =	strace $0x8FFFFFFF  }
0x98: {  	s18 =	sld [smem:$0x3FDB];
	_ =	sdelay $0x1  }
0x99: {  	s19 =	simm.s32 $_scs_section_size  }
0x9a: {  	s4 =	simm.s32 $_size__tile_overlayer_lowered;
	s5 =	simm.s32 $_tile_overlayer_lowered  }
0x9b: {  	s22 =	simm.s32 $0x1BFF;
	s21 =	sshll.u32 s5, $0x1;
	s2 =	sadd.s32 s19, s18  }
0x9c: {  	s6 =	simm.s32 $0x0;
	s20 =	sshll.u32 s4, $0x1;
	s4 =	sadd.s32 s21, s2  }
0x9d: {  	[timem:s6], [sflag:s22] =	dma.local [hbm:s4], s20  }
0x9e: {  	_ =	swait.ge [sflag:s22], s20  }
0x9f: {  	s3 =	ssub.s32 $0x0, s20;
	[sflag:s22] =	ssyncset.done $0x0  }
0xa0: {  	[sflag:s22] =	ssyncadd.s32 s3;
	_ =	sdelay $0x1  }
0xa1: {  	s23 =	simm.s32 $0x1B8B  }
0xa2: {  	_ =	swait.ge [sflag:s23], $0x1  }
0xa3: {  	[sflag:s23] =	ssyncset.done $0x0  }
0xa4: {  	s25 =	simm.s32 $0x1B8E;
	s24 =	sld [smem:$0x3FFE];
	[sflag:s23] =	ssyncadd.s32 $0xFFFFFFFF  }
0xa5: {  	s26 =	simm.s32 $execute0_lowered;
	[smem:$0x3FD2] =	sst s25  }
0xa6: {  	s4 =	sshll.u32 s26, $0x1;
	_ =	strace $0x80000046;
	[dreg:$0x1] =	wrdreg $0xFFFFFFFF  }
0xa7: {  	s28 =	simm.s32 $_size_execute0_lowered;
	s2 =	sadd.s32 s2, s4;
	[dreg:$0x0] =	wrdreg $0x0  }
0xa8: {  	s4 =	sshll.u32 s28, $0x1;
	[dreg:$0x2] =	wrdreg s2  }
0xa9: {  	[dreg:$0x3] =	wrdreg s4  }
0xaa: {  	[dreg:$0x4] =	wrdreg $0xC0  }
0xab: {  	_ =	task [dreg:s6], $0x5FFFF  }
0xac: {  	[dreg:$0x1] =	wrdreg $0xFFFFFFFF  }
0xad: {  	[dreg:$0x0] =	wrdreg $0x60  }
0xae: {  	[dreg:$0x2] =	wrdreg s24  }
0xaf: {  	[dreg:$0x3] =	wrdreg $0xA  }
0xb0: {  	_ =	task.clear_ibuf [dreg:s6], $0x4FFFF;
	_ =	strace $0x90000046  }
0xb1: {  	s29 =	simm.s32 $0xA;
	_ =	strace $0x80000048  }
0xb2: {  	_ =	swait.ge [sflag:s29], $0x1  }
0xb3: {  	[sflag:s29] =	ssyncadd.s32 $0xFFFFFFFF  }
0xb4: {  	_ =	strace $0x90000048  }
0xb5: {  	_ =	sfence  }
0xb6: {  	s30 =	sld [smem:$0x0];
	_ =	sdelay $0x2  }
0xb7: {  	s31 =	sshll.u32 s1, $0xD;
	s1 =	sshrl.u32 s1, $0x2  }
0xb8: {  	s3 =	sand.u32 $0x4000, s31;
	s1 =	sadd.s32 s1, s30  }
0xb9: {  	s0 =	sor.u32 s3, s0;
	s1 =	sshll.u32 s1, $0x11  }
0xba: {  	s0 =	sor.u32 s1, s0  }
0xbb: {  	s0 =	sadd.s32 $0x8F2B, s0  }
0xbc: {  	[sflag:s0] =	ssyncadd.remote.s32 $0x1  }
0xbd: {  	_ =	sfence.sel $0xFFFF  }
0xbe: {  	[dreg:$0x0] =	wrdreg $0xFFFFFFFF;
	(pc) =	sbr.abs _section_cstart, $3  }
0xbf: {  	[dreg:$0x1] =	wrdreg $0xFFFFFFFF  }
0xc0: {  	_ =	task.clear_ibuf [dreg:s6], $0x2FFFF;
	_ =	strace $0x9FFFFFFF  }
0xc1: {  	(tm) =	ssettm $0x7FFFFFFF  }
tec
execute0_lowered:
.L_overlay_start_1:
0x0: {  	(tag) =	ssettag $0x1  }
0x1: {  	s0 =	srdreg.scid  }
0x2: {  	s2 =	stileid.u32;
	s1 =	rddreg [dreg:$0x0];
	s9 =	simm.s32 $0x2  }
0x3: {  	s11 =	simm.s32 $0x1900;
	s12 =	simm.s32 $0x50;
	s17 =	simm.s32 $0x1680  }
0x4: {  	s18 =	simm.s32 $0x1090;
	s19 =	simm.s32 $0x16D0;
	s20 =	simm.s32 $0x10E0  }
0x5: {  	s21 =	simm.s32 $0x1720;
	s22 =	simm.s32 $0x1130;
	s23 =	simm.s32 $0x1770  }
0x6: {  	s24 =	simm.s32 $0x1180;
	s25 =	simm.s32 $0x17C0;
	s28 =	simm.s32 $0x1810  }
0x7: {  	s29 =	simm.s32 $0x1220;
	s30 =	simm.s32 $0x1860;
	s31 =	simm.s32 $0x1270  }
0x8: {  	s10 =	simm.s32 $0x1CE8;
	s0 =	sand.u32 $0x1, s0;
	s3 =	sshll.u32 s2, $0x1  }
0x9: {  	s13 =	simm.s32 $0x0;
	s2 =	simm.s32 $0x0;
	s4 =	sor.u32 s0, s3  }
0xa: {  	[smem:$0x7FF] =	sst s2;
	s3 =	sadd.s32 $0xE00, s1;
	s0 =	ssub.s32 $0x2, s0  }
0xb: {  	s5 =	smul.u32 $0xC8, s4;
	_ =	strace $0x80000047;
	s7 =	sshrl.u32 s0, $0x1  }
0xc: {  	s26 =	sshll.u32 s4, $0x1;
	s4 =	sadd.s32 $0xC00, s1;
	s0 =	ssub.s32 s0, s7  }
0xd: {  	s6 =	sadd.s32 s5, s1;
	s1 =	sadd.s32 s26, s1;
	s8 =	smax.u32 s0, $0x1  }
0xe: {  	s26 =	simm.s32 $0x11D0;
	s0 =	simm.s32 $0x1;
	s5 =	sadd.s32 $0x21200, s6  }
0xf: {  	s6 =	sadd.s32 $0x1F800, s6;
	s7 =	sadd.s32 $0x22C00, s1;
	s1 =	simm.s32 $0x18B0  }
.LBB2_1:
0x10: {  	[tilespmem:s2], [sflag:$0x2] =	stream.linear.gather [hbm4b:s5+s2], $0x640, $0x38;
	[tilespmem:$0x1CF8] =	vst v63  }
0x11: {  	_ =	swait.ge [sflag:s9], $0x640  }
0x12: {  	[sflag:s9] =	ssyncset.done $0x0  }
0x13: {  	s14 =	simm.s32 $0x640;
	[sflag:s9] =	ssyncadd.s32 $0xFFFFF9C0  }
0x14: {  	[tilespmem:s14], [sflag:$0x2] =	stream.linear.gather [hbm4b:s6+s2], $0x640, $0x38;
	[tilespmem:$0x1CF8] =	vst v63  }
0x15: {  	_ =	swait.ge [sflag:s9], $0x640  }
0x16: {  	[sflag:s9] =	ssyncset.done $0x0  }
0x17: {  	[sflag:s9] =	ssyncadd.s32 $0xFFFFF9C0  }
0x18: {  	[tilespmem:s11], [sflag:$0x2] =	stream.linear.gather [hbm4b:s4+s2], $0x3E8, $0x38;
	[tilespmem:$0x1CF8] =	vst v63  }
0x19: {  	_ =	swait.ge [sflag:s9], $0x3E8  }
0x1a: {  	[sflag:s9] =	ssyncset.done $0x0  }
0x1b: {  	s14 =	simm.s32 $0x0;
	[sflag:s9] =	ssyncadd.s32 $0xFFFFFC18  }
0x1c: {  	v0 =	vld [tilespmem:s14+$0x0]  }
0x1d: {  	s15 =	simm.s32 $0x40;
	v1 =	vld [tilespmem:s14+$0x640]  }
.LBB2_2:
0x1e: {  	_ = 	snop  }
0x1f: {  	p0 =	sne.s32 s15, $0x18C0  }
.Ltmp0:
0x20: {  	_ = 	snop;
	(pc) =	sbr.rel @p0 .LBB2_2-.Ltmp0, $4  }
0x21: {  	v2 =	vmul.u32 $0x3E8, v0  }
0x22: {  	s16 =	sshra.s32 s15, $0x2  }
0x23: {  	v0 =	vld [tilespmem:s16+$0x0];
	v2 =	vadd.s32 v1, v2  }
0x24: {  	s15 =	sadd.s32 $0x40, s15;
	v1 =	vld [tilespmem:s16+$0x640];
	[tilespmem:s14+$0xC80] =	vst v2;
	s14 =	smov.u32 s16  }
0x25: {  	_ =	sdelay $0x2  }
0x26: {  	v0 =	vmul.u32 $0x3E8, v0;
	_ =	sdelay $0x1  }
0x27: {  	v0 =	vadd.s32 v1, v0  }
0x28: {  	s16 =	simm.s32 $0xC80;
	s15 =	simm.s32 $0x12C0;
	[tilespmem:s14+$0xC80] =	vst v0  }
0x29: {  	[tilespmem:s15], [sflag:$0x1] =	stream.indirect.gather [hbm4b:s3+s12], $0x1, s16, s12, $0xb8;
	[tilespmem:$0x1CF8] =	vst v63  }
0x2a: {  	s15 =	simm.s32 $0xCD0;
	s16 =	simm.s32 $0x1310  }
0x2b: {  	[tilespmem:s16], [sflag:$0x1] =	stream.indirect.gather [hbm4b:s3+s12], $0x1, s15, s12, $0xb8;
	[tilespmem:$0x1CF8] =	vst v63  }
0x2c: {  	s15 =	simm.s32 $0xD20;
	s16 =	simm.s32 $0x1360  }
0x2d: {  	[tilespmem:s16], [sflag:$0x1] =	stream.indirect.gather [hbm4b:s3+s12], $0x1, s15, s12, $0xb8;
	[tilespmem:$0x1CF8] =	vst v63  }
0x2e: {  	s15 =	simm.s32 $0xD70;
	s16 =	simm.s32 $0x13B0  }
0x2f: {  	[tilespmem:s16], [sflag:$0x1] =	stream.indirect.gather [hbm4b:s3+s12], $0x1, s15, s12, $0xb8;
	[tilespmem:$0x1CF8] =	vst v63  }
0x30: {  	s15 =	simm.s32 $0xDC0;
	s16 =	simm.s32 $0x1400  }
0x31: {  	[tilespmem:s16], [sflag:$0x1] =	stream.indirect.gather [hbm4b:s3+s12], $0x1, s15, s12, $0xb8;
	[tilespmem:$0x1CF8] =	vst v63  }
0x32: {  	s15 =	simm.s32 $0xE10;
	s16 =	simm.s32 $0x1450  }
0x33: {  	[tilespmem:s16], [sflag:$0x1] =	stream.indirect.gather [hbm4b:s3+s12], $0x1, s15, s12, $0xb8;
	[tilespmem:$0x1CF8] =	vst v63  }
0x34: {  	s15 =	simm.s32 $0xE60;
	s16 =	simm.s32 $0x14A0  }
0x35: {  	[tilespmem:s16], [sflag:$0x1] =	stream.indirect.gather [hbm4b:s3+s12], $0x1, s15, s12, $0xb8;
	[tilespmem:$0x1CF8] =	vst v63  }
0x36: {  	s15 =	simm.s32 $0xEB0;
	s16 =	simm.s32 $0x14F0  }
0x37: {  	[tilespmem:s16], [sflag:$0x1] =	stream.indirect.gather [hbm4b:s3+s12], $0x1, s15, s12, $0xb8;
	[tilespmem:$0x1CF8] =	vst v63  }
0x38: {  	s15 =	simm.s32 $0xF00;
	s16 =	simm.s32 $0x1540  }
0x39: {  	[tilespmem:s16], [sflag:$0x1] =	stream.indirect.gather [hbm4b:s3+s12], $0x1, s15, s12, $0xb8;
	[tilespmem:$0x1CF8] =	vst v63  }
0x3a: {  	s15 =	simm.s32 $0xF50;
	s16 =	simm.s32 $0x1590  }
0x3b: {  	[tilespmem:s16], [sflag:$0x1] =	stream.indirect.gather [hbm4b:s3+s12], $0x1, s15, s12, $0xb8;
	[tilespmem:$0x1CF8] =	vst v63  }
0x3c: {  	s15 =	simm.s32 $0xFA0;
	s16 =	simm.s32 $0x15E0  }
0x3d: {  	[tilespmem:s16], [sflag:$0x1] =	stream.indirect.gather [hbm4b:s3+s12], $0x1, s15, s12, $0xb8;
	[tilespmem:$0x1CF8] =	vst v63  }
0x3e: {  	s15 =	simm.s32 $0xFF0;
	s16 =	simm.s32 $0x1630  }
0x3f: {  	[tilespmem:s16], [sflag:$0x1] =	stream.indirect.gather [hbm4b:s3+s12], $0x1, s15, s12, $0xb8;
	[tilespmem:$0x1CF8] =	vst v63  }
0x40: {  	s15 =	simm.s32 $0x1040  }
0x41: {  	[tilespmem:s17], [sflag:$0x1] =	stream.indirect.gather [hbm4b:s3+s12], $0x1, s15, s12, $0xb8;
	[tilespmem:$0x1CF8] =	vst v63  }
0x42: {  	_ = 	snop  }
0x43: {  	[tilespmem:s19], [sflag:$0x1] =	stream.indirect.gather [hbm4b:s3+s12], $0x1, s18, s12, $0xb8;
	[tilespmem:$0x1CF8] =	vst v63  }
0x44: {  	_ = 	snop  }
0x45: {  	[tilespmem:s21], [sflag:$0x1] =	stream.indirect.gather [hbm4b:s3+s12], $0x1, s20, s12, $0xb8;
	[tilespmem:$0x1CF8] =	vst v63  }
0x46: {  	_ = 	snop  }
0x47: {  	[tilespmem:s23], [sflag:$0x1] =	stream.indirect.gather [hbm4b:s3+s12], $0x1, s22, s12, $0xb8;
	[tilespmem:$0x1CF8] =	vst v63  }
0x48: {  	_ = 	snop  }
0x49: {  	[tilespmem:s25], [sflag:$0x1] =	stream.indirect.gather [hbm4b:s3+s12], $0x1, s24, s12, $0xb8;
	[tilespmem:$0x1CF8] =	vst v63  }
0x4a: {  	_ = 	snop  }
0x4b: {  	[tilespmem:s28], [sflag:$0x1] =	stream.indirect.gather [hbm4b:s3+s12], $0x1, s26, s12, $0xb8;
	[tilespmem:$0x1CF8] =	vst v63  }
0x4c: {  	_ = 	snop  }
0x4d: {  	[tilespmem:s30], [sflag:$0x1] =	stream.indirect.gather [hbm4b:s3+s12], $0x1, s29, s12, $0xb8;
	[tilespmem:$0x1CF8] =	vst v63  }
0x4e: {  	_ = 	snop  }
0x4f: {  	[tilespmem:s1], [sflag:$0x1] =	stream.indirect.gather [hbm4b:s3+s12], $0x1, s31, s12, $0xb8;
	[tilespmem:$0x1CF8] =	vst v63  }
0x50: {  	_ =	swait.ge [sflag:s0], $0x50  }
0x51: {  	[sflag:s0] =	ssyncset.done $0x0  }
0x52: {  	[sflag:s0] =	ssyncadd.s32 $0xFFFFFFB0  }
0x53: {  	_ =	swait.ge [sflag:s0], $0x50  }
0x54: {  	[sflag:s0] =	ssyncset.done $0x0  }
0x55: {  	[sflag:s0] =	ssyncadd.s32 $0xFFFFFFB0  }
0x56: {  	_ =	swait.ge [sflag:s0], $0x50  }
0x57: {  	[sflag:s0] =	ssyncset.done $0x0  }
0x58: {  	[sflag:s0] =	ssyncadd.s32 $0xFFFFFFB0  }
0x59: {  	_ =	swait.ge [sflag:s0], $0x50  }
0x5a: {  	[sflag:s0] =	ssyncset.done $0x0  }
0x5b: {  	[sflag:s0] =	ssyncadd.s32 $0xFFFFFFB0  }
0x5c: {  	_ =	swait.ge [sflag:s0], $0x50  }
0x5d: {  	[sflag:s0] =	ssyncset.done $0x0  }
0x5e: {  	[sflag:s0] =	ssyncadd.s32 $0xFFFFFFB0  }
0x5f: {  	_ =	swait.ge [sflag:s0], $0x50  }
0x60: {  	[sflag:s0] =	ssyncset.done $0x0  }
0x61: {  	[sflag:s0] =	ssyncadd.s32 $0xFFFFFFB0  }
0x62: {  	_ =	swait.ge [sflag:s0], $0x50  }
0x63: {  	[sflag:s0] =	ssyncset.done $0x0  }
0x64: {  	[sflag:s0] =	ssyncadd.s32 $0xFFFFFFB0  }
0x65: {  	_ =	swait.ge [sflag:s0], $0x50  }
0x66: {  	[sflag:s0] =	ssyncset.done $0x0  }
0x67: {  	[sflag:s0] =	ssyncadd.s32 $0xFFFFFFB0  }
0x68: {  	_ =	swait.ge [sflag:s0], $0x50  }
0x69: {  	[sflag:s0] =	ssyncset.done $0x0  }
0x6a: {  	[sflag:s0] =	ssyncadd.s32 $0xFFFFFFB0  }
0x6b: {  	_ =	swait.ge [sflag:s0], $0x50  }
0x6c: {  	[sflag:s0] =	ssyncset.done $0x0  }
0x6d: {  	[sflag:s0] =	ssyncadd.s32 $0xFFFFFFB0  }
0x6e: {  	_ =	swait.ge [sflag:s0], $0x50  }
0x6f: {  	[sflag:s0] =	ssyncset.done $0x0  }
0x70: {  	[sflag:s0] =	ssyncadd.s32 $0xFFFFFFB0  }
0x71: {  	_ =	swait.ge [sflag:s0], $0x50  }
0x72: {  	[sflag:s0] =	ssyncset.done $0x0  }
0x73: {  	[sflag:s0] =	ssyncadd.s32 $0xFFFFFFB0  }
0x74: {  	_ =	swait.ge [sflag:s0], $0x50  }
0x75: {  	[sflag:s0] =	ssyncset.done $0x0  }
0x76: {  	[sflag:s0] =	ssyncadd.s32 $0xFFFFFFB0  }
0x77: {  	_ =	swait.ge [sflag:s0], $0x50  }
0x78: {  	[sflag:s0] =	ssyncset.done $0x0  }
0x79: {  	[sflag:s0] =	ssyncadd.s32 $0xFFFFFFB0  }
0x7a: {  	_ =	swait.ge [sflag:s0], $0x50  }
0x7b: {  	[sflag:s0] =	ssyncset.done $0x0  }
0x7c: {  	[sflag:s0] =	ssyncadd.s32 $0xFFFFFFB0  }
0x7d: {  	_ =	swait.ge [sflag:s0], $0x50  }
0x7e: {  	[sflag:s0] =	ssyncset.done $0x0  }
0x7f: {  	[sflag:s0] =	ssyncadd.s32 $0xFFFFFFB0  }
0x80: {  	_ =	swait.ge [sflag:s0], $0x50  }
0x81: {  	[sflag:s0] =	ssyncset.done $0x0  }
0x82: {  	[sflag:s0] =	ssyncadd.s32 $0xFFFFFFB0  }
0x83: {  	_ =	swait.ge [sflag:s0], $0x50  }
0x84: {  	[sflag:s0] =	ssyncset.done $0x0  }
0x85: {  	[sflag:s0] =	ssyncadd.s32 $0xFFFFFFB0  }
0x86: {  	_ =	swait.ge [sflag:s0], $0x50  }
0x87: {  	[sflag:s0] =	ssyncset.done $0x0  }
0x88: {  	[sflag:s0] =	ssyncadd.s32 $0xFFFFFFB0  }
0x89: {  	_ =	swait.ge [sflag:s0], $0x50  }
0x8a: {  	[sflag:s0] =	ssyncset.done $0x0  }
0x8b: {  	s16 =	simm.s32 $0x0;
	[sflag:s0] =	ssyncadd.s32 $0xFFFFFFB0  }
0x8c: {  	v2 =	vld [tilespmem:s16+$0x0];
	_ =	sdelay $0x6  }
0x8d: {  	v1 =	vld [tilespmem:s16+$0x12C0]  }
0x8e: {  	v0 =	vimm.f32 $0.0e+00;
	s14 =	simm.s32 $0x10;
	s15 =	simm.s32 $0x80;
	v2 =	vld.idx.msk [tilespmem:v2+s11+$0x0], $0xffff  }
.LBB2_4:
0x8f: {  	p0 =	sne.s32 s15, $0x18C0;
	v3 =	vld [tilespmem:s14+$0x0];
	_ =	sdelay $0x3  }
.Ltmp1:
0x90: {  	(pc) =	sbr.rel @p0 .LBB2_4-.Ltmp1, $3  }
0x91: {  	v2 =	vsub.f32 v2, v1;
	_ =	sdelay $0x1  }
0x92: {  	v0 =	vadd.f32 v2, v0;
	v1 =	vld [tilespmem:s14+$0x12C0]  }
0x93: {  	s14 =	sshra.s32 s15, $0x2;
	s15 =	sadd.s32 $0x40, s15;
	v2 =	vld.idx.msk [tilespmem:v3+s11+$0x0], $0xffff  }
0x94: {  	v3 =	vld [tilespmem:s14+$0x0];
	_ =	sdelay $0x6  }
0x95: {  	v4 =	vld [tilespmem:s14+$0x12C0]  }
0x96: {  	v3 =	vld.idx.msk [tilespmem:v3+s11+$0x0], $0xffff;
	_ =	sdelay $0x2  }
0x97: {  	v1 =	vsub.f32 v2, v1;
	_ =	sdelay $0x1  }
0x98: {  	v0 =	vadd.f32 v1, v0;
	v63 =	vsub.f32 v3, v4;
	_ =	sdelay $0x1  }
0x99: {  	s13 =	sadd.s32 $0x1, s13;
	v0 =	vadd.f32 v63, v0  }
0x9a: {  	p0 =	sne.s32 s13, s8  }
.Ltmp2:
0x9b: {  	[tilespmem:$0x1CE8] =	vst v0;
	(pc) =	sbr.rel @p0 .LBB2_1-.Ltmp2, $4  }
0x9c: {  	[hbm4b:s7+s2] =	stream.linear.scatter [tilespmem:s10], [sflag:$0x2], $0x10, $0x38;
	[tilespmem:$0x1CF8] =	vst v63  }
0x9d: {  	_ =	swait.ge [sflag:s9], $0x10  }
0x9e: {  	[sflag:s9] =	ssyncset.done $0x0  }
0x9f: {  	[sflag:s9] =	ssyncadd.s32 $0xFFFFFFF0  }
0xa0: {  	_ =	sfence.sel $0x180000  }
0xa1: {  	[bflag:$0x0] =	sbarrier.arrive $0xFFFF  }
0xa2: {  	_ =	strace $0x90000047  }
0xa3: {  	s0 =	stileid.u32;
	[bflag:$0x2] =	sbarrier.arrive $0xFFFF  }
0xa4: {  	p0 =	sne.s32 s0, $0x0;
	s0 =	rddreg [dreg:$0x1]  }
0xa5: {  	s0 =	sadd.s32 @!p0 $0x100000, s0  }
0xa6: {  	[sflag:s0] =	ssyncadd.tile.s32 @!p0 $0x1;
	_ =	shalt  }
.Lfunc_end2:
_tile_overlayer_lowered:
.L_overlay_start_2:
0xa7: {  	(tag) =	ssettag $0x2  }
0xa8: {  	s0 =	rddreg [dreg:$0x0];
	s2 =	stileid.u32  }
0xa9: {  	s1 =	rddreg [dreg:$0x1];
	p0 =	sne.s32 s2, $0x0  }
0xaa: {  	s3 =	rddreg [dreg:$0x2];
	[bflag:$0x3] =	sbarrier.arrive $0xFFFF;
	s2 =	simm.s32 @!p0 $0x1C02  }
0xab: {  	[timem:s3], [sflag:s2] =	dma.local @!p0 [hbm:s0], s1  }
0xac: {  	s0 =	simm.s32 @!p0 $0x2  }
0xad: {  	_ =	swait.ge @!p0 [sflag:s0], s1  }
0xae: {  	s1 =	ssub.s32 @!p0 $0x0, s1;
	[sflag:s0] =	ssyncset.done @!p0 $0x0  }
0xaf: {  	[sflag:s0] =	ssyncadd.s32 @!p0 s1  }
0xb0: {  	[bflag:$0x3] =	sbarrier.arrive $0xFFFF  }
0xb1: {  	_ =	shalt  }

</sc_bundles>
